<compile_context>
chip_gen: v7x
topology: tpu7x:2x2x1
jax: 0.10.2.dev20260603
libtpu: 0.0.44.dev20260713+nightly
codegen_flags: <defaults>
</compile_context>

<pallas_src>
import jax
import jax.numpy as jnp
from jax.experimental import pallas as pl
from jax.experimental.pallas import tpu as pltpu

B, L = 16384, 20
VOCAB, FEAT, D = 119, 200, 128
H = D // 2
BR = 256
GRID = B // BR
SLOTS = 4


def _table_kernel(cbfv_ref, projw_ref, bias_ref, out_ref):
    pt = jax.lax.dot_general(
        cbfv_ref[...], projw_ref[...],
        (((1,), (1,)), ((), ())),
        preferred_element_type=jnp.float32,
    )
    out_ref[...] = pt + bias_ref[...]


def _main_kernel(idx_ref, frac_ref, table_ref, w1_ref, b1_ref, w2t_ref,
                 out_hbm, scratch, sems):
    i = pl.program_id(0)
    slot = jax.lax.rem(i, SLOTS)

    @pl.when(i >= SLOTS)
    def _wait_prev():
        pltpu.make_async_copy(
            scratch.at[slot],
            out_hbm.at[pl.ds((i - SLOTS) * BR, BR)],
            sems.at[slot],
        ).wait()

    idx = idx_ref[...]
    frac = frac_ref[...]
    table = table_ref[...].astype(jnp.bfloat16)
    w2t = w2t_ref[...].astype(jnp.bfloat16)
    lane = jax.lax.broadcasted_iota(jnp.int32, (BR, 128), 1)
    for l in range(L):
        oh = (idx[:, l:l + 1] == lane).astype(jnp.bfloat16)
        h = frac[:, l:l + 1] * w1_ref[...] + b1_ref[...]
        h = (h * jax.nn.sigmoid(h)).astype(jnp.bfloat16)
        e = jnp.dot(oh, table, preferred_element_type=jnp.float32)
        f = jnp.dot(h, w2t, preferred_element_type=jnp.float32)
        scratch[slot, :, l * D:(l + 1) * D] = e + f

    pltpu.make_async_copy(
        scratch.at[slot],
        out_hbm.at[pl.ds(i * BR, BR)],
        sems.at[slot],
    ).start()

    nsteps = pl.num_programs(0)
    @pl.when(i == nsteps - 1)
    def _drain():
        for j in range(SLOTS):
            step = nsteps - SLOTS + j
            s = step % SLOTS
            pltpu.make_async_copy(
                scratch.at[s],
                out_hbm.at[pl.ds(step * BR, BR)],
                sems.at[s],
            ).wait()


def kernel(elem_idx, frac, cbfv_weight, proj_W, proj_b, mlp_W1, mlp_b1, mlp_W2, mlp_b2):
    cbfv_p = jnp.zeros((128, FEAT), cbfv_weight.dtype).at[:VOCAB].set(cbfv_weight)
    bias = (proj_b + mlp_b2).reshape(1, D)

    table = pl.pallas_call(
        _table_kernel,
        out_shape=jax.ShapeDtypeStruct((128, D), jnp.float32),
    )(cbfv_p, proj_W, bias)

    w1_row = mlp_W1.reshape(1, H)
    b1_row = mlp_b1.reshape(1, H)
    w2t = mlp_W2.T

    C = 4
    BC = B // C
    idx32 = elem_idx.astype(jnp.int32)
    chunks = []
    for c in range(C):
        o = pl.pallas_call(
            _main_kernel,
            grid=(BC // BR,),
            in_specs=[
                pl.BlockSpec((BR, L), lambda i: (i, 0)),
                pl.BlockSpec((BR, L), lambda i: (i, 0)),
                pl.BlockSpec((128, D), lambda i: (0, 0)),
                pl.BlockSpec((1, H), lambda i: (0, 0)),
                pl.BlockSpec((1, H), lambda i: (0, 0)),
                pl.BlockSpec((H, D), lambda i: (0, 0)),
            ],
            out_specs=pl.BlockSpec(memory_space=pl.ANY),
            out_shape=jax.ShapeDtypeStruct((BC, L * D), jnp.float32),
            scratch_shapes=[
                pltpu.VMEM((SLOTS, BR, L * D), jnp.float32),
                pltpu.SemaphoreType.DMA((SLOTS,)),
            ],
        )(idx32[c * BC:(c + 1) * BC], frac[c * BC:(c + 1) * BC],
          table, w1_row, b1_row, w2t)
        chunks.append(o.reshape(BC, L, D))

    return jnp.concatenate(chunks, axis=0)

# --- scband reference (transcript-rebuilt; emitter-appended) ---
"""Pipeline reference for scband-element-embedder-70540542870206 (READ-ONLY COPY).

The authoritative reference and input builder live on the scoring server;
editing this copy changes nothing except your own understanding.
"""

import jax, jax.numpy as jnp
import numpy as np

B, L = 16384, 20
VOCAB, FEAT, D = 119, 200, 128
H = D // 2


def setup_inputs(seed: int = 0) -> dict:
    key = jax.random.key(seed)
    ks = jax.random.split(key, 8)
    elem_idx = jax.random.randint(ks[0], (B, L), 0, VOCAB, dtype=jnp.int64) if jax.config.jax_enable_x64 else jax.random.randint(ks[0], (B, L), 0, VOCAB, dtype=jnp.int32)
    frac = jax.random.uniform(ks[1], (B, L), dtype=jnp.float32)
    # frozen mat2vec table: row 0 is the zero padding row, rows 1..118 are element vectors
    cbfv_weight = jax.random.normal(ks[2], (VOCAB, FEAT), dtype=jnp.float32)
    cbfv_weight = cbfv_weight.at[0].set(0.0)
    proj_W = jax.random.normal(ks[3], (D, FEAT), dtype=jnp.float32) * (1.0 / np.sqrt(FEAT))
    proj_b = jnp.zeros((D,), dtype=jnp.float32)
    mlp_W1 = jax.random.normal(ks[4], (H, 1), dtype=jnp.float32)
    mlp_b1 = jnp.zeros((H,), dtype=jnp.float32)
    mlp_W2 = jax.random.normal(ks[5], (D, H), dtype=jnp.float32) * (1.0 / np.sqrt(H))
    mlp_b2 = jnp.zeros((D,), dtype=jnp.float32)
    return {
        "elem_idx": elem_idx,
        "frac": frac,
        "cbfv_weight": cbfv_weight,
        "proj_W": proj_W,
        "proj_b": proj_b,
        "mlp_W1": mlp_W1,
        "mlp_b1": mlp_b1,
        "mlp_W2": mlp_W2,
        "mlp_b2": mlp_b2,
    }


def reference(elem_idx, frac, cbfv_weight, proj_W, proj_b, mlp_W1, mlp_b1, mlp_W2, mlp_b2):
    # e_emb = proj(cbfv(elem_idx))
    e = jnp.take(cbfv_weight, elem_idx, axis=0)          # [B, L, FEAT] gather
    e_emb = jnp.einsum('blf,df->bld', e, proj_W) + proj_b  # Linear(FEAT -> D)
    # f_emb = frac_mlp(frac.unsqueeze(-1))
    f = frac[..., None]                                   # [B, L, 1]
    h = jnp.einsum('blo,ho->blh', f, mlp_W1) + mlp_b1     # Linear(1 -> H)
    h = h * jax.nn.sigmoid(h)                             # SiLU
    f_emb = jnp.einsum('blh,dh->bld', h, mlp_W2) + mlp_b2 # Linear(H -> D)
    return e_emb + f_emb

if __name__ == "__main__":
    import jax
    _d = setup_inputs()
    print(jax.jit(kernel)(*tuple(_d.values())))

</pallas_src>

<mosaic_0001>
module attributes {stable_mosaic.version = 14 : i64} {
  func.func @_table_kernel(%arg0: memref<128x200xf32, #tpu.memory_space<vmem>>, %arg1: memref<128x200xf32, #tpu.memory_space<vmem>>, %arg2: memref<1x128xf32, #tpu.memory_space<vmem>>, %arg3: memref<128x128xf32, #tpu.memory_space<vmem>>) attributes {dimension_semantics = [], scalar_prefetch = 0 : i64, scratch_operands = 0 : i64, tpu.core_type = #tpu.core_type<tc>} {
    %get3A = arith.constant 0 : index
    %get3A_0 = arith.constant 0 : index
    %get3A_1 = vector.load %arg0[%get3A, %get3A_0] : memref<128x200xf32, #tpu.memory_space<vmem>>, vector<128x200xf32>
    %get3A_2 = arith.constant 0 : index
    %get3A_3 = arith.constant 0 : index
    %get3A_4 = vector.load %arg1[%get3A_2, %get3A_3] : memref<128x200xf32, #tpu.memory_space<vmem>>, vector<128x200xf32>
    %dot_general3A = arith.constant dense<0.000000e+00> : vector<128x128xf32>
    %dot_general3A_5 = tpu.matmul %get3A_1, %get3A_4, %dot_general3A {dimension_numbers = #tpu.dot_dimension_numbers<[1], [1], [0], [0], [0, 0, 1, 0], [], []>, transpose_lhs_hint = false} : vector<128x200xf32>, vector<128x200xf32>, vector<128x128xf32> -> vector<128x128xf32>
    %get3A_6 = arith.constant 0 : index
    %get3A_7 = arith.constant 0 : index
    %get3A_8 = vector.load %arg2[%get3A_6, %get3A_7] : memref<1x128xf32, #tpu.memory_space<vmem>>, vector<1x128xf32>
    %add3A = vector.broadcast %get3A_8 : vector<1x128xf32> to vector<128x128xf32>
    %add3A_9 = arith.addf %dot_general3A_5, %add3A : vector<128x128xf32>
    %swap3A = arith.constant 0 : index
    %swap3A_10 = arith.constant 0 : index
    %swap3A_11 = vector.load %arg3[%swap3A, %swap3A_10] : memref<128x128xf32, #tpu.memory_space<vmem>>, vector<128x128xf32>
    tpu.vector_store %arg3[%swap3A, %swap3A_10], %add3A_9 {strides = array<i32>} : memref<128x128xf32, #tpu.memory_space<vmem>>, vector<128x128xf32>,
    return
  }
}

module attributes {stable_mosaic.version = 14 : i64} {
  func.func @_main_kernel(%arg0: i32, %arg1: memref<256x20xi32, #tpu.memory_space<vmem>>, %arg2: memref<256x20xf32, #tpu.memory_space<vmem>>, %arg3: memref<128x128xf32, #tpu.memory_space<vmem>>, %arg4: memref<1x64xf32, #tpu.memory_space<vmem>>, %arg5: memref<1x64xf32, #tpu.memory_space<vmem>>, %arg6: memref<64x128xf32, #tpu.memory_space<vmem>>, %arg7: memref<4096x2560xf32, #tpu.memory_space<any>>, %arg8: memref<4x256x2560xf32, #tpu.memory_space<vmem>>, %arg9: memref<4x!tpu.dma_semaphore, #tpu.memory_space<semaphore_mem>>) attributes {dimension_semantics = [#tpu.dimension_semantics<arbitrary>], iteration_bounds = array<i64: 16>, scalar_prefetch = 0 : i64, scratch_operands = 2 : i64, tpu.core_type = #tpu.core_type<tc>, window_params = [{transform_indices = @transform_0, window_bounds = array<i64: 256, 20>}, {transform_indices = @transform_1, window_bounds = array<i64: 256, 20>}, {pipeline_mode = #tpu.pipeline_mode<synchronous>, transform_indices = @transform_2, window_bounds = array<i64: 128, 128>}, {pipeline_mode = #tpu.pipeline_mode<synchronous>, transform_indices = @transform_3, window_bounds = array<i64: 1, 64>}, {pipeline_mode = #tpu.pipeline_mode<synchronous>, transform_indices = @transform_4, window_bounds = array<i64: 1, 64>}, {pipeline_mode = #tpu.pipeline_mode<synchronous>, transform_indices = @transform_5, window_bounds = array<i64: 64, 128>}, {}]} {
    %rem3A = arith.constant 4 : i32
    %rem3A_0 = arith.remsi %arg0, %rem3A : i32
    %ge3A = arith.constant 4 : i32
    %ge3A_1 = arith.cmpi sge, %arg0, %ge3A : i32
    %convert_element_type3A = arith.extui %ge3A_1 : i1 to i32
    %cond3A = arith.constant 0 : i32
    %cond3A_2 = arith.cmpi ne, %convert_element_type3A, %cond3A : i32
    scf.if %cond3A_2 {
      %sub3A = arith.constant 4 : i32
      %sub3A_763 = arith.subi %arg0, %sub3A : i32
      %mul3A_764 = arith.constant 256 : i32
      %mul3A_765 = arith.muli %sub3A_763, %mul3A_764 : i32
      %dma_wait3A = tpu.memref_slice %arg9[%rem3A_0] : memref<4x!tpu.dma_semaphore, #tpu.memory_space<semaphore_mem>> -> memref<1x!tpu.dma_semaphore, #tpu.memory_space<semaphore_mem>>
      %dma_wait3A_766 = tpu.memref_squeeze %dma_wait3A : memref<1x!tpu.dma_semaphore, #tpu.memory_space<semaphore_mem>> -> memref<!tpu.dma_semaphore, #tpu.memory_space<semaphore_mem>>
      %dma_wait3A_767 = arith.constant 0 : i32
      %dma_wait3A_768 = tpu.memref_slice %arg7[%mul3A_765, %dma_wait3A_767] : memref<4096x2560xf32, #tpu.memory_space<any>> -> memref<256x2560xf32, #tpu.memory_space<any>>
      %dma_wait3A_769 = arith.constant 0 : i32
      %dma_wait3A_770 = arith.constant 0 : i32
      %dma_wait3A_771 = tpu.memref_slice %arg8[%rem3A_0, %dma_wait3A_769, %dma_wait3A_770] : memref<4x256x2560xf32, #tpu.memory_space<vmem>> -> memref<1x256x2560xf32, #tpu.memory_space<vmem>>
      %dma_wait3A_772 = tpu.memref_squeeze %dma_wait3A_771 : memref<1x256x2560xf32, #tpu.memory_space<vmem>> -> memref<256x2560xf32, #tpu.memory_space<vmem>>
      tpu.wait_dma2 semaphore(%dma_wait3A_766 : memref<!tpu.dma_semaphore, #tpu.memory_space<semaphore_mem>>) src(%dma_wait3A_772 : memref<256x2560xf32, #tpu.memory_space<vmem>>) dst(%dma_wait3A_768 : memref<256x2560xf32, #tpu.memory_space<any>>)
    } else {
    }
    %get3A = arith.constant 0 : index
    %get3A_3 = arith.constant 0 : index
    %get3A_4 = vector.load %arg1[%get3A, %get3A_3] : memref<256x20xi32, #tpu.memory_space<vmem>>, vector<256x20xi32>
    %get3A_5 = arith.constant 0 : index
    %get3A_6 = arith.constant 0 : index
    %get3A_7 = vector.load %arg2[%get3A_5, %get3A_6] : memref<256x20xf32, #tpu.memory_space<vmem>>, vector<256x20xf32>
    %get3A_8 = arith.constant 0 : index
    %get3A_9 = arith.constant 0 : index
    %get3A_10 = vector.load %arg3[%get3A_8, %get3A_9] : memref<128x128xf32, #tpu.memory_space<vmem>>, vector<128x128xf32>
    %convert_element_type3A_11 = arith.truncf %get3A_10 : vector<128x128xf32> to vector<128x128xbf16>
    %get3A_12 = arith.constant 0 : index
    %get3A_13 = arith.constant 0 : index
    %get3A_14 = vector.load %arg6[%get3A_12, %get3A_13] : memref<64x128xf32, #tpu.memory_space<vmem>>, vector<64x128xf32>
    %convert_element_type3A_15 = arith.truncf %get3A_14 : vector<64x128xf32> to vector<64x128xbf16>
    %iota3A = tpu.iota {dimensions = array<i32: 1>} : vector<256x128xi32>
    %slice3A = vector.extract_strided_slice %get3A_4 {offsets = [0, 0], sizes = [256, 1], strides = [1, 1]} : vector<256x20xi32> to vector<256x1xi32>
    %eq3A = vector.broadcast %slice3A : vector<256x1xi32> to vector<256x128xi32>
    %eq3A_16 = arith.cmpi eq, %eq3A, %iota3A : vector<256x128xi32>
    %convert_element_type3A_17 = arith.extui %eq3A_16 : vector<256x128xi1> to vector<256x128xi32>
    %convert_element_type3A_18 = arith.sitofp %convert_element_type3A_17 : vector<256x128xi32> to vector<256x128xf32>
    %convert_element_type3A_19 = arith.truncf %convert_element_type3A_18 : vector<256x128xf32> to vector<256x128xbf16>
    %slice3A_20 = vector.extract_strided_slice %get3A_7 {offsets = [0, 0], sizes = [256, 1], strides = [1, 1]} : vector<256x20xf32> to vector<256x1xf32>
    %get3A_21 = arith.constant 0 : index
    %get3A_22 = arith.constant 0 : index
    %get3A_23 = vector.load %arg4[%get3A_21, %get3A_22] : memref<1x64xf32, #tpu.memory_space<vmem>>, vector<1x64xf32>
    %mul3A = vector.broadcast %slice3A_20 : vector<256x1xf32> to vector<256x64xf32>
    %mul3A_24 = vector.broadcast %get3A_23 : vector<1x64xf32> to vector<256x64xf32>
    %mul3A_25 = arith.mulf %mul3A, %mul3A_24 : vector<256x64xf32>
    %get3A_26 = arith.constant 0 : index
    %get3A_27 = arith.constant 0 : index
    %get3A_28 = vector.load %arg5[%get3A_26, %get3A_27] : memref<1x64xf32, #tpu.memory_space<vmem>>, vector<1x64xf32>
    %add3A = vector.broadcast %get3A_28 : vector<1x64xf32> to vector<256x64xf32>
    %add3A_29 = arith.addf %mul3A_25, %add3A : vector<256x64xf32>
    %logistic3A = arith.negf %add3A_29 : vector<256x64xf32>
    %logistic3A_30 = math.exp %logistic3A : vector<256x64xf32>
    %logistic3A_31 = arith.constant 1.000000e+00 : f32
    %logistic3A_32 = vector.broadcast %logistic3A_31 : f32 to vector<256x64xf32>
    %logistic3A_33 = arith.addf %logistic3A_32, %logistic3A_30 : vector<256x64xf32>
    %logistic3A_34 = arith.divf %logistic3A_32, %logistic3A_33 : vector<256x64xf32>
    %mul3A_35 = arith.mulf %add3A_29, %logistic3A_34 : vector<256x64xf32>
    %convert_element_type3A_36 = arith.truncf %mul3A_35 : vector<256x64xf32> to vector<256x64xbf16>
    %dot_general3A = arith.constant dense<0.000000e+00> : vector<256x128xf32>
    %dot_general3A_37 = tpu.matmul %convert_element_type3A_19, %convert_element_type3A_11, %dot_general3A {dimension_numbers = #tpu.dot_dimension_numbers<[1], [0], [0], [1], [0, 0, 1, 1], [], []>, transpose_lhs_hint = false} : vector<256x128xbf16>, vector<128x128xbf16>, vector<256x128xf32> -> vector<256x128xf32>
    %dot_general3A_38 = arith.constant dense<0.000000e+00> : vector<256x128xf32>
    %dot_general3A_39 = tpu.matmul %convert_element_type3A_36, %convert_element_type3A_15, %dot_general3A_38 {dimension_numbers = #tpu.dot_dimension_numbers<[1], [0], [0], [1], [0, 0, 1, 1], [], []>, transpose_lhs_hint = false} : vector<256x64xbf16>, vector<64x128xbf16>, vector<256x128xf32> -> vector<256x128xf32>
    %add3A_40 = arith.addf %dot_general3A_37, %dot_general3A_39 : vector<256x128xf32>
    %swap3A = arith.index_cast %rem3A_0 : i32 to index
    %swap3A_41 = arith.constant 0 : index
    %swap3A_42 = arith.constant 0 : index
    %swap3A_43 = vector.load %arg8[%swap3A, %swap3A_41, %swap3A_42] : memref<4x256x2560xf32, #tpu.memory_space<vmem>>, vector<1x256x128xf32>
    %swap3A_44 = vector.shape_cast %swap3A_43 : vector<1x256x128xf32> to vector<256x128xf32>
    %swap3A_45 = vector.shape_cast %add3A_40 : vector<256x128xf32> to vector<1x256x128xf32>
    tpu.vector_store %arg8[%swap3A, %swap3A_41, %swap3A_42], %swap3A_45 {strides = array<i32>} : memref<4x256x2560xf32, #tpu.memory_space<vmem>>, vector<1x256x128xf32>,
    %slice3A_46 = vector.extract_strided_slice %get3A_4 {offsets = [0, 1], sizes = [256, 1], strides = [1, 1]} : vector<256x20xi32> to vector<256x1xi32>
    %eq3A_47 = vector.broadcast %slice3A_46 : vector<256x1xi32> to vector<256x128xi32>
    %eq3A_48 = arith.cmpi eq, %eq3A_47, %iota3A : vector<256x128xi32>
    %convert_element_type3A_49 = arith.extui %eq3A_48 : vector<256x128xi1> to vector<256x128xi32>
    %convert_element_type3A_50 = arith.sitofp %convert_element_type3A_49 : vector<256x128xi32> to vector<256x128xf32>
    %convert_element_type3A_51 = arith.truncf %convert_element_type3A_50 : vector<256x128xf32> to vector<256x128xbf16>
    %slice3A_52 = vector.extract_strided_slice %get3A_7 {offsets = [0, 1], sizes = [256, 1], strides = [1, 1]} : vector<256x20xf32> to vector<256x1xf32>
    %get3A_53 = arith.constant 0 : index
    %get3A_54 = arith.constant 0 : index
    %get3A_55 = vector.load %arg4[%get3A_53, %get3A_54] : memref<1x64xf32, #tpu.memory_space<vmem>>, vector<1x64xf32>
    %mul3A_56 = vector.broadcast %slice3A_52 : vector<256x1xf32> to vector<256x64xf32>
    %mul3A_57 = vector.broadcast %get3A_55 : vector<1x64xf32> to vector<256x64xf32>
    %mul3A_58 = arith.mulf %mul3A_56, %mul3A_57 : vector<256x64xf32>
    %get3A_59 = arith.constant 0 : index
    %get3A_60 = arith.constant 0 : index
    %get3A_61 = vector.load %arg5[%get3A_59, %get3A_60] : memref<1x64xf32, #tpu.memory_space<vmem>>, vector<1x64xf32>
    %add3A_62 = vector.broadcast %get3A_61 : vector<1x64xf32> to vector<256x64xf32>
    %add3A_63 = arith.addf %mul3A_58, %add3A_62 : vector<256x64xf32>
    %logistic3A_64 = arith.negf %add3A_63 : vector<256x64xf32>
    %logistic3A_65 = math.exp %logistic3A_64 : vector<256x64xf32>
    %logistic3A_66 = arith.constant 1.000000e+00 : f32
    %logistic3A_67 = vector.broadcast %logistic3A_66 : f32 to vector<256x64xf32>
    %logistic3A_68 = arith.addf %logistic3A_67, %logistic3A_65 : vector<256x64xf32>
    %logistic3A_69 = arith.divf %logistic3A_67, %logistic3A_68 : vector<256x64xf32>
    %mul3A_70 = arith.mulf %add3A_63, %logistic3A_69 : vector<256x64xf32>
    %convert_element_type3A_71 = arith.truncf %mul3A_70 : vector<256x64xf32> to vector<256x64xbf16>
    %dot_general3A_72 = arith.constant dense<0.000000e+00> : vector<256x128xf32>
    %dot_general3A_73 = tpu.matmul %convert_element_type3A_51, %convert_element_type3A_11, %dot_general3A_72 {dimension_numbers = #tpu.dot_dimension_numbers<[1], [0], [0], [1], [0, 0, 1, 1], [], []>, transpose_lhs_hint = false} : vector<256x128xbf16>, vector<128x128xbf16>, vector<256x128xf32> -> vector<256x128xf32>
    %dot_general3A_74 = arith.constant dense<0.000000e+00> : vector<256x128xf32>
    %dot_general3A_75 = tpu.matmul %convert_element_type3A_71, %convert_element_type3A_15, %dot_general3A_74 {dimension_numbers = #tpu.dot_dimension_numbers<[1], [0], [0], [1], [0, 0, 1, 1], [], []>, transpose_lhs_hint = false} : vector<256x64xbf16>, vector<64x128xbf16>, vector<256x128xf32> -> vector<256x128xf32>
    %add3A_76 = arith.addf %dot_general3A_73, %dot_general3A_75 : vector<256x128xf32>
    %swap3A_77 = arith.index_cast %rem3A_0 : i32 to index
    %swap3A_78 = arith.constant 0 : index
    %swap3A_79 = arith.constant 128 : index
    %swap3A_80 = vector.load %arg8[%swap3A_77, %swap3A_78, %swap3A_79] : memref<4x256x2560xf32, #tpu.memory_space<vmem>>, vector<1x256x128xf32>
    %swap3A_81 = vector.shape_cast %swap3A_80 : vector<1x256x128xf32> to vector<256x128xf32>
    %swap3A_82 = vector.shape_cast %add3A_76 : vector<256x128xf32> to vector<1x256x128xf32>
    tpu.vector_store %arg8[%swap3A_77, %swap3A_78, %swap3A_79], %swap3A_82 {strides = array<i32>} : memref<4x256x2560xf32, #tpu.memory_space<vmem>>, vector<1x256x128xf32>,
    %slice3A_83 = vector.extract_strided_slice %get3A_4 {offsets = [0, 2], sizes = [256, 1], strides = [1, 1]} : vector<256x20xi32> to vector<256x1xi32>
    %eq3A_84 = vector.broadcast %slice3A_83 : vector<256x1xi32> to vector<256x128xi32>
    %eq3A_85 = arith.cmpi eq, %eq3A_84, %iota3A : vector<256x128xi32>
    %convert_element_type3A_86 = arith.extui %eq3A_85 : vector<256x128xi1> to vector<256x128xi32>
    %convert_element_type3A_87 = arith.sitofp %convert_element_type3A_86 : vector<256x128xi32> to vector<256x128xf32>
    %convert_element_type3A_88 = arith.truncf %convert_element_type3A_87 : vector<256x128xf32> to vector<256x128xbf16>
    %slice3A_89 = vector.extract_strided_slice %get3A_7 {offsets = [0, 2], sizes = [256, 1], strides = [1, 1]} : vector<256x20xf32> to vector<256x1xf32>
    %get3A_90 = arith.constant 0 : index
    %get3A_91 = arith.constant 0 : index
    %get3A_92 = vector.load %arg4[%get3A_90, %get3A_91] : memref<1x64xf32, #tpu.memory_space<vmem>>, vector<1x64xf32>
    %mul3A_93 = vector.broadcast %slice3A_89 : vector<256x1xf32> to vector<256x64xf32>
    %mul3A_94 = vector.broadcast %get3A_92 : vector<1x64xf32> to vector<256x64xf32>
    %mul3A_95 = arith.mulf %mul3A_93, %mul3A_94 : vector<256x64xf32>
    %get3A_96 = arith.constant 0 : index
    %get3A_97 = arith.constant 0 : index
    %get3A_98 = vector.load %arg5[%get3A_96, %get3A_97] : memref<1x64xf32, #tpu.memory_space<vmem>>, vector<1x64xf32>
    %add3A_99 = vector.broadcast %get3A_98 : vector<1x64xf32> to vector<256x64xf32>
    %add3A_100 = arith.addf %mul3A_95, %add3A_99 : vector<256x64xf32>
    %logistic3A_101 = arith.negf %add3A_100 : vector<256x64xf32>
    %logistic3A_102 = math.exp %logistic3A_101 : vector<256x64xf32>
    %logistic3A_103 = arith.constant 1.000000e+00 : f32
    %logistic3A_104 = vector.broadcast %logistic3A_103 : f32 to vector<256x64xf32>
    %logistic3A_105 = arith.addf %logistic3A_104, %logistic3A_102 : vector<256x64xf32>
    %logistic3A_106 = arith.divf %logistic3A_104, %logistic3A_105 : vector<256x64xf32>
    %mul3A_107 = arith.mulf %add3A_100, %logistic3A_106 : vector<256x64xf32>
    %convert_element_type3A_108 = arith.truncf %mul3A_107 : vector<256x64xf32> to vector<256x64xbf16>
    %dot_general3A_109 = arith.constant dense<0.000000e+00> : vector<256x128xf32>
    %dot_general3A_110 = tpu.matmul %convert_element_type3A_88, %convert_element_type3A_11, %dot_general3A_109 {dimension_numbers = #tpu.dot_dimension_numbers<[1], [0], [0], [1], [0, 0, 1, 1], [], []>, transpose_lhs_hint = false} : vector<256x128xbf16>, vector<128x128xbf16>, vector<256x128xf32> -> vector<256x128xf32>
    %dot_general3A_111 = arith.constant dense<0.000000e+00> : vector<256x128xf32>
    %dot_general3A_112 = tpu.matmul %convert_element_type3A_108, %convert_element_type3A_15, %dot_general3A_111 {dimension_numbers = #tpu.dot_dimension_numbers<[1], [0], [0], [1], [0, 0, 1, 1], [], []>, transpose_lhs_hint = false} : vector<256x64xbf16>, vector<64x128xbf16>, vector<256x128xf32> -> vector<256x128xf32>
    %add3A_113 = arith.addf %dot_general3A_110, %dot_general3A_112 : vector<256x128xf32>
    %swap3A_114 = arith.index_cast %rem3A_0 : i32 to index
    %swap3A_115 = arith.constant 0 : index
    %swap3A_116 = arith.constant 256 : index
    %swap3A_117 = vector.load %arg8[%swap3A_114, %swap3A_115, %swap3A_116] : memref<4x256x2560xf32, #tpu.memory_space<vmem>>, vector<1x256x128xf32>
    %swap3A_118 = vector.shape_cast %swap3A_117 : vector<1x256x128xf32> to vector<256x128xf32>
    %swap3A_119 = vector.shape_cast %add3A_113 : vector<256x128xf32> to vector<1x256x128xf32>
    tpu.vector_store %arg8[%swap3A_114, %swap3A_115, %swap3A_116], %swap3A_119 {strides = array<i32>} : memref<4x256x2560xf32, #tpu.memory_space<vmem>>, vector<1x256x128xf32>,
    %slice3A_120 = vector.extract_strided_slice %get3A_4 {offsets = [0, 3], sizes = [256, 1], strides = [1, 1]} : vector<256x20xi32> to vector<256x1xi32>
    %eq3A_121 = vector.broadcast %slice3A_120 : vector<256x1xi32> to vector<256x128xi32>
    %eq3A_122 = arith.cmpi eq, %eq3A_121, %iota3A : vector<256x128xi32>
    %convert_element_type3A_123 = arith.extui %eq3A_122 : vector<256x128xi1> to vector<256x128xi32>
    %convert_element_type3A_124 = arith.sitofp %convert_element_type3A_123 : vector<256x128xi32> to vector<256x128xf32>
    %convert_element_type3A_125 = arith.truncf %convert_element_type3A_124 : vector<256x128xf32> to vector<256x128xbf16>
    %slice3A_126 = vector.extract_strided_slice %get3A_7 {offsets = [0, 3], sizes = [256, 1], strides = [1, 1]} : vector<256x20xf32> to vector<256x1xf32>
    %get3A_127 = arith.constant 0 : index
    %get3A_128 = arith.constant 0 : index
    %get3A_129 = vector.load %arg4[%get3A_127, %get3A_128] : memref<1x64xf32, #tpu.memory_space<vmem>>, vector<1x64xf32>
    %mul3A_130 = vector.broadcast %slice3A_126 : vector<256x1xf32> to vector<256x64xf32>
    %mul3A_131 = vector.broadcast %get3A_129 : vector<1x64xf32> to vector<256x64xf32>
    %mul3A_132 = arith.mulf %mul3A_130, %mul3A_131 : vector<256x64xf32>
    %get3A_133 = arith.constant 0 : index
    %get3A_134 = arith.constant 0 : index
    %get3A_135 = vector.load %arg5[%get3A_133, %get3A_134] : memref<1x64xf32, #tpu.memory_space<vmem>>, vector<1x64xf32>
    %add3A_136 = vector.broadcast %get3A_135 : vector<1x64xf32> to vector<256x64xf32>
    %add3A_137 = arith.addf %mul3A_132, %add3A_136 : vector<256x64xf32>
    %logistic3A_138 = arith.negf %add3A_137 : vector<256x64xf32>
    %logistic3A_139 = math.exp %logistic3A_138 : vector<256x64xf32>
    %logistic3A_140 = arith.constant 1.000000e+00 : f32
    %logistic3A_141 = vector.broadcast %logistic3A_140 : f32 to vector<256x64xf32>
    %logistic3A_142 = arith.addf %logistic3A_141, %logistic3A_139 : vector<256x64xf32>
    %logistic3A_143 = arith.divf %logistic3A_141, %logistic3A_142 : vector<256x64xf32>
    %mul3A_144 = arith.mulf %add3A_137, %logistic3A_143 : vector<256x64xf32>
    %convert_element_type3A_145 = arith.truncf %mul3A_144 : vector<256x64xf32> to vector<256x64xbf16>
    %dot_general3A_146 = arith.constant dense<0.000000e+00> : vector<256x128xf32>
    %dot_general3A_147 = tpu.matmul %convert_element_type3A_125, %convert_element_type3A_11, %dot_general3A_146 {dimension_numbers = #tpu.dot_dimension_numbers<[1], [0], [0], [1], [0, 0, 1, 1], [], []>, transpose_lhs_hint = false} : vector<256x128xbf16>, vector<128x128xbf16>, vector<256x128xf32> -> vector<256x128xf32>
    %dot_general3A_148 = arith.constant dense<0.000000e+00> : vector<256x128xf32>
    %dot_general3A_149 = tpu.matmul %convert_element_type3A_145, %convert_element_type3A_15, %dot_general3A_148 {dimension_numbers = #tpu.dot_dimension_numbers<[1], [0], [0], [1], [0, 0, 1, 1], [], []>, transpose_lhs_hint = false} : vector<256x64xbf16>, vector<64x128xbf16>, vector<256x128xf32> -> vector<256x128xf32>
    %add3A_150 = arith.addf %dot_general3A_147, %dot_general3A_149 : vector<256x128xf32>
    %swap3A_151 = arith.index_cast %rem3A_0 : i32 to index
    %swap3A_152 = arith.constant 0 : index
    %swap3A_153 = arith.constant 384 : index
    %swap3A_154 = vector.load %arg8[%swap3A_151, %swap3A_152, %swap3A_153] : memref<4x256x2560xf32, #tpu.memory_space<vmem>>, vector<1x256x128xf32>
    %swap3A_155 = vector.shape_cast %swap3A_154 : vector<1x256x128xf32> to vector<256x128xf32>
    %swap3A_156 = vector.shape_cast %add3A_150 : vector<256x128xf32> to vector<1x256x128xf32>
    tpu.vector_store %arg8[%swap3A_151, %swap3A_152, %swap3A_153], %swap3A_156 {strides = array<i32>} : memref<4x256x2560xf32, #tpu.memory_space<vmem>>, vector<1x256x128xf32>,
    %slice3A_157 = vector.extract_strided_slice %get3A_4 {offsets = [0, 4], sizes = [256, 1], strides = [1, 1]} : vector<256x20xi32> to vector<256x1xi32>
    %eq3A_158 = vector.broadcast %slice3A_157 : vector<256x1xi32> to vector<256x128xi32>
    %eq3A_159 = arith.cmpi eq, %eq3A_158, %iota3A : vector<256x128xi32>
    %convert_element_type3A_160 = arith.extui %eq3A_159 : vector<256x128xi1> to vector<256x128xi32>
    %convert_element_type3A_161 = arith.sitofp %convert_element_type3A_160 : vector<256x128xi32> to vector<256x128xf32>
    %convert_element_type3A_162 = arith.truncf %convert_element_type3A_161 : vector<256x128xf32> to vector<256x128xbf16>
    %slice3A_163 = vector.extract_strided_slice %get3A_7 {offsets = [0, 4], sizes = [256, 1], strides = [1, 1]} : vector<256x20xf32> to vector<256x1xf32>
    %get3A_164 = arith.constant 0 : index
    %get3A_165 = arith.constant 0 : index
    %get3A_166 = vector.load %arg4[%get3A_164, %get3A_165] : memref<1x64xf32, #tpu.memory_space<vmem>>, vector<1x64xf32>
    %mul3A_167 = vector.broadcast %slice3A_163 : vector<256x1xf32> to vector<256x64xf32>
    %mul3A_168 = vector.broadcast %get3A_166 : vector<1x64xf32> to vector<256x64xf32>
    %mul3A_169 = arith.mulf %mul3A_167, %mul3A_168 : vector<256x64xf32>
    %get3A_170 = arith.constant 0 : index
    %get3A_171 = arith.constant 0 : index
    %get3A_172 = vector.load %arg5[%get3A_170, %get3A_171] : memref<1x64xf32, #tpu.memory_space<vmem>>, vector<1x64xf32>
    %add3A_173 = vector.broadcast %get3A_172 : vector<1x64xf32> to vector<256x64xf32>
    %add3A_174 = arith.addf %mul3A_169, %add3A_173 : vector<256x64xf32>
    %logistic3A_175 = arith.negf %add3A_174 : vector<256x64xf32>
    %logistic3A_176 = math.exp %logistic3A_175 : vector<256x64xf32>
    %logistic3A_177 = arith.constant 1.000000e+00 : f32
    %logistic3A_178 = vector.broadcast %logistic3A_177 : f32 to vector<256x64xf32>
    %logistic3A_179 = arith.addf %logistic3A_178, %logistic3A_176 : vector<256x64xf32>
    %logistic3A_180 = arith.divf %logistic3A_178, %logistic3A_179 : vector<256x64xf32>
    %mul3A_181 = arith.mulf %add3A_174, %logistic3A_180 : vector<256x64xf32>
    %convert_element_type3A_182 = arith.truncf %mul3A_181 : vector<256x64xf32> to vector<256x64xbf16>
    %dot_general3A_183 = arith.constant dense<0.000000e+00> : vector<256x128xf32>
    %dot_general3A_184 = tpu.matmul %convert_element_type3A_162, %convert_element_type3A_11, %dot_general3A_183 {dimension_numbers = #tpu.dot_dimension_numbers<[1], [0], [0], [1], [0, 0, 1, 1], [], []>, transpose_lhs_hint = false} : vector<256x128xbf16>, vector<128x128xbf16>, vector<256x128xf32> -> vector<256x128xf32>
    %dot_general3A_185 = arith.constant dense<0.000000e+00> : vector<256x128xf32>
    %dot_general3A_186 = tpu.matmul %convert_element_type3A_182, %convert_element_type3A_15, %dot_general3A_185 {dimension_numbers = #tpu.dot_dimension_numbers<[1], [0], [0], [1], [0, 0, 1, 1], [], []>, transpose_lhs_hint = false} : vector<256x64xbf16>, vector<64x128xbf16>, vector<256x128xf32> -> vector<256x128xf32>
    %add3A_187 = arith.addf %dot_general3A_184, %dot_general3A_186 : vector<256x128xf32>
    %swap3A_188 = arith.index_cast %rem3A_0 : i32 to index
    %swap3A_189 = arith.constant 0 : index
    %swap3A_190 = arith.constant 512 : index
    %swap3A_191 = vector.load %arg8[%swap3A_188, %swap3A_189, %swap3A_190] : memref<4x256x2560xf32, #tpu.memory_space<vmem>>, vector<1x256x128xf32>
    %swap3A_192 = vector.shape_cast %swap3A_191 : vector<1x256x128xf32> to vector<256x128xf32>
    %swap3A_193 = vector.shape_cast %add3A_187 : vector<256x128xf32> to vector<1x256x128xf32>
    tpu.vector_store %arg8[%swap3A_188, %swap3A_189, %swap3A_190], %swap3A_193 {strides = array<i32>} : memref<4x256x2560xf32, #tpu.memory_space<vmem>>, vector<1x256x128xf32>,
    %slice3A_194 = vector.extract_strided_slice %get3A_4 {offsets = [0, 5], sizes = [256, 1], strides = [1, 1]} : vector<256x20xi32> to vector<256x1xi32>
    %eq3A_195 = vector.broadcast %slice3A_194 : vector<256x1xi32> to vector<256x128xi32>
    %eq3A_196 = arith.cmpi eq, %eq3A_195, %iota3A : vector<256x128xi32>
    %convert_element_type3A_197 = arith.extui %eq3A_196 : vector<256x128xi1> to vector<256x128xi32>
    %convert_element_type3A_198 = arith.sitofp %convert_element_type3A_197 : vector<256x128xi32> to vector<256x128xf32>
    %convert_element_type3A_199 = arith.truncf %convert_element_type3A_198 : vector<256x128xf32> to vector<256x128xbf16>
    %slice3A_200 = vector.extract_strided_slice %get3A_7 {offsets = [0, 5], sizes = [256, 1], strides = [1, 1]} : vector<256x20xf32> to vector<256x1xf32>
    %get3A_201 = arith.constant 0 : index
    %get3A_202 = arith.constant 0 : index
    %get3A_203 = vector.load %arg4[%get3A_201, %get3A_202] : memref<1x64xf32, #tpu.memory_space<vmem>>, vector<1x64xf32>
    %mul3A_204 = vector.broadcast %slice3A_200 : vector<256x1xf32> to vector<256x64xf32>
    %mul3A_205 = vector.broadcast %get3A_203 : vector<1x64xf32> to vector<256x64xf32>
    %mul3A_206 = arith.mulf %mul3A_204, %mul3A_205 : vector<256x64xf32>
    %get3A_207 = arith.constant 0 : index
    %get3A_208 = arith.constant 0 : index
    %get3A_209 = vector.load %arg5[%get3A_207, %get3A_208] : memref<1x64xf32, #tpu.memory_space<vmem>>, vector<1x64xf32>
    %add3A_210 = vector.broadcast %get3A_209 : vector<1x64xf32> to vector<256x64xf32>
    %add3A_211 = arith.addf %mul3A_206, %add3A_210 : vector<256x64xf32>
    %logistic3A_212 = arith.negf %add3A_211 : vector<256x64xf32>
    %logistic3A_213 = math.exp %logistic3A_212 : vector<256x64xf32>
    %logistic3A_214 = arith.constant 1.000000e+00 : f32
    %logistic3A_215 = vector.broadcast %logistic3A_214 : f32 to vector<256x64xf32>
    %logistic3A_216 = arith.addf %logistic3A_215, %logistic3A_213 : vector<256x64xf32>
    %logistic3A_217 = arith.divf %logistic3A_215, %logistic3A_216 : vector<256x64xf32>
    %mul3A_218 = arith.mulf %add3A_211, %logistic3A_217 : vector<256x64xf32>
    %convert_element_type3A_219 = arith.truncf %mul3A_218 : vector<256x64xf32> to vector<256x64xbf16>
    %dot_general3A_220 = arith.constant dense<0.000000e+00> : vector<256x128xf32>
    %dot_general3A_221 = tpu.matmul %convert_element_type3A_199, %convert_element_type3A_11, %dot_general3A_220 {dimension_numbers = #tpu.dot_dimension_numbers<[1], [0], [0], [1], [0, 0, 1, 1], [], []>, transpose_lhs_hint = false} : vector<256x128xbf16>, vector<128x128xbf16>, vector<256x128xf32> -> vector<256x128xf32>
    %dot_general3A_222 = arith.constant dense<0.000000e+00> : vector<256x128xf32>
    %dot_general3A_223 = tpu.matmul %convert_element_type3A_219, %convert_element_type3A_15, %dot_general3A_222 {dimension_numbers = #tpu.dot_dimension_numbers<[1], [0], [0], [1], [0, 0, 1, 1], [], []>, transpose_lhs_hint = false} : vector<256x64xbf16>, vector<64x128xbf16>, vector<256x128xf32> -> vector<256x128xf32>
    %add3A_224 = arith.addf %dot_general3A_221, %dot_general3A_223 : vector<256x128xf32>
    %swap3A_225 = arith.index_cast %rem3A_0 : i32 to index
    %swap3A_226 = arith.constant 0 : index
    %swap3A_227 = arith.constant 640 : index
    %swap3A_228 = vector.load %arg8[%swap3A_225, %swap3A_226, %swap3A_227] : memref<4x256x2560xf32, #tpu.memory_space<vmem>>, vector<1x256x128xf32>
    %swap3A_229 = vector.shape_cast %swap3A_228 : vector<1x256x128xf32> to vector<256x128xf32>
    %swap3A_230 = vector.shape_cast %add3A_224 : vector<256x128xf32> to vector<1x256x128xf32>
    tpu.vector_store %arg8[%swap3A_225, %swap3A_226, %swap3A_227], %swap3A_230 {strides = array<i32>} : memref<4x256x2560xf32, #tpu.memory_space<vmem>>, vector<1x256x128xf32>,
    %slice3A_231 = vector.extract_strided_slice %get3A_4 {offsets = [0, 6], sizes = [256, 1], strides = [1, 1]} : vector<256x20xi32> to vector<256x1xi32>
    %eq3A_232 = vector.broadcast %slice3A_231 : vector<256x1xi32> to vector<256x128xi32>
    %eq3A_233 = arith.cmpi eq, %eq3A_232, %iota3A : vector<256x128xi32>
    %convert_element_type3A_234 = arith.extui %eq3A_233 : vector<256x128xi1> to vector<256x128xi32>
    %convert_element_type3A_235 = arith.sitofp %convert_element_type3A_234 : vector<256x128xi32> to vector<256x128xf32>
    %convert_element_type3A_236 = arith.truncf %convert_element_type3A_235 : vector<256x128xf32> to vector<256x128xbf16>
    %slice3A_237 = vector.extract_strided_slice %get3A_7 {offsets = [0, 6], sizes = [256, 1], strides = [1, 1]} : vector<256x20xf32> to vector<256x1xf32>
    %get3A_238 = arith.constant 0 : index
    %get3A_239 = arith.constant 0 : index
    %get3A_240 = vector.load %arg4[%get3A_238, %get3A_239] : memref<1x64xf32, #tpu.memory_space<vmem>>, vector<1x64xf32>
    %mul3A_241 = vector.broadcast %slice3A_237 : vector<256x1xf32> to vector<256x64xf32>
    %mul3A_242 = vector.broadcast %get3A_240 : vector<1x64xf32> to vector<256x64xf32>
    %mul3A_243 = arith.mulf %mul3A_241, %mul3A_242 : vector<256x64xf32>
    %get3A_244 = arith.constant 0 : index
    %get3A_245 = arith.constant 0 : index
    %get3A_246 = vector.load %arg5[%get3A_244, %get3A_245] : memref<1x64xf32, #tpu.memory_space<vmem>>, vector<1x64xf32>
    %add3A_247 = vector.broadcast %get3A_246 : vector<1x64xf32> to vector<256x64xf32>
    %add3A_248 = arith.addf %mul3A_243, %add3A_247 : vector<256x64xf32>
    %logistic3A_249 = arith.negf %add3A_248 : vector<256x64xf32>
    %logistic3A_250 = math.exp %logistic3A_249 : vector<256x64xf32>
    %logistic3A_251 = arith.constant 1.000000e+00 : f32
    %logistic3A_252 = vector.broadcast %logistic3A_251 : f32 to vector<256x64xf32>
    %logistic3A_253 = arith.addf %logistic3A_252, %logistic3A_250 : vector<256x64xf32>
    %logistic3A_254 = arith.divf %logistic3A_252, %logistic3A_253 : vector<256x64xf32>
    %mul3A_255 = arith.mulf %add3A_248, %logistic3A_254 : vector<256x64xf32>
    %convert_element_type3A_256 = arith.truncf %mul3A_255 : vector<256x64xf32> to vector<256x64xbf16>
    %dot_general3A_257 = arith.constant dense<0.000000e+00> : vector<256x128xf32>
    %dot_general3A_258 = tpu.matmul %convert_element_type3A_236, %convert_element_type3A_11, %dot_general3A_257 {dimension_numbers = #tpu.dot_dimension_numbers<[1], [0], [0], [1], [0, 0, 1, 1], [], []>, transpose_lhs_hint = false} : vector<256x128xbf16>, vector<128x128xbf16>, vector<256x128xf32> -> vector<256x128xf32>
    %dot_general3A_259 = arith.constant dense<0.000000e+00> : vector<256x128xf32>
    %dot_general3A_260 = tpu.matmul %convert_element_type3A_256, %convert_element_type3A_15, %dot_general3A_259 {dimension_numbers = #tpu.dot_dimension_numbers<[1], [0], [0], [1], [0, 0, 1, 1], [], []>, transpose_lhs_hint = false} : vector<256x64xbf16>, vector<64x128xbf16>, vector<256x128xf32> -> vector<256x128xf32>
    %add3A_261 = arith.addf %dot_general3A_258, %dot_general3A_260 : vector<256x128xf32>
    %swap3A_262 = arith.index_cast %rem3A_0 : i32 to index
    %swap3A_263 = arith.constant 0 : index
    %swap3A_264 = arith.constant 768 : index
    %swap3A_265 = vector.load %arg8[%swap3A_262, %swap3A_263, %swap3A_264] : memref<4x256x2560xf32, #tpu.memory_space<vmem>>, vector<1x256x128xf32>
    %swap3A_266 = vector.shape_cast %swap3A_265 : vector<1x256x128xf32> to vector<256x128xf32>
    %swap3A_267 = vector.shape_cast %add3A_261 : vector<256x128xf32> to vector<1x256x128xf32>
    tpu.vector_store %arg8[%swap3A_262, %swap3A_263, %swap3A_264], %swap3A_267 {strides = array<i32>} : memref<4x256x2560xf32, #tpu.memory_space<vmem>>, vector<1x256x128xf32>,
    %slice3A_268 = vector.extract_strided_slice %get3A_4 {offsets = [0, 7], sizes = [256, 1], strides = [1, 1]} : vector<256x20xi32> to vector<256x1xi32>
    %eq3A_269 = vector.broadcast %slice3A_268 : vector<256x1xi32> to vector<256x128xi32>
    %eq3A_270 = arith.cmpi eq, %eq3A_269, %iota3A : vector<256x128xi32>
    %convert_element_type3A_271 = arith.extui %eq3A_270 : vector<256x128xi1> to vector<256x128xi32>
    %convert_element_type3A_272 = arith.sitofp %convert_element_type3A_271 : vector<256x128xi32> to vector<256x128xf32>
    %convert_element_type3A_273 = arith.truncf %convert_element_type3A_272 : vector<256x128xf32> to vector<256x128xbf16>
    %slice3A_274 = vector.extract_strided_slice %get3A_7 {offsets = [0, 7], sizes = [256, 1], strides = [1, 1]} : vector<256x20xf32> to vector<256x1xf32>
    %get3A_275 = arith.constant 0 : index
    %get3A_276 = arith.constant 0 : index
    %get3A_277 = vector.load %arg4[%get3A_275, %get3A_276] : memref<1x64xf32, #tpu.memory_space<vmem>>, vector<1x64xf32>
    %mul3A_278 = vector.broadcast %slice3A_274 : vector<256x1xf32> to vector<256x64xf32>
    %mul3A_279 = vector.broadcast %get3A_277 : vector<1x64xf32> to vector<256x64xf32>
    %mul3A_280 = arith.mulf %mul3A_278, %mul3A_279 : vector<256x64xf32>
    %get3A_281 = arith.constant 0 : index
    %get3A_282 = arith.constant 0 : index
    %get3A_283 = vector.load %arg5[%get3A_281, %get3A_282] : memref<1x64xf32, #tpu.memory_space<vmem>>, vector<1x64xf32>
    %add3A_284 = vector.broadcast %get3A_283 : vector<1x64xf32> to vector<256x64xf32>
    %add3A_285 = arith.addf %mul3A_280, %add3A_284 : vector<256x64xf32>
    %logistic3A_286 = arith.negf %add3A_285 : vector<256x64xf32>
    %logistic3A_287 = math.exp %logistic3A_286 : vector<256x64xf32>
    %logistic3A_288 = arith.constant 1.000000e+00 : f32
    %logistic3A_289 = vector.broadcast %logistic3A_288 : f32 to vector<256x64xf32>
    %logistic3A_290 = arith.addf %logistic3A_289, %logistic3A_287 : vector<256x64xf32>
    %logistic3A_291 = arith.divf %logistic3A_289, %logistic3A_290 : vector<256x64xf32>
    %mul3A_292 = arith.mulf %add3A_285, %logistic3A_291 : vector<256x64xf32>
    %convert_element_type3A_293 = arith.truncf %mul3A_292 : vector<256x64xf32> to vector<256x64xbf16>
    %dot_general3A_294 = arith.constant dense<0.000000e+00> : vector<256x128xf32>
    %dot_general3A_295 = tpu.matmul %convert_element_type3A_273, %convert_element_type3A_11, %dot_general3A_294 {dimension_numbers = #tpu.dot_dimension_numbers<[1], [0], [0], [1], [0, 0, 1, 1], [], []>, transpose_lhs_hint = false} : vector<256x128xbf16>, vector<128x128xbf16>, vector<256x128xf32> -> vector<256x128xf32>
    %dot_general3A_296 = arith.constant dense<0.000000e+00> : vector<256x128xf32>
    %dot_general3A_297 = tpu.matmul %convert_element_type3A_293, %convert_element_type3A_15, %dot_general3A_296 {dimension_numbers = #tpu.dot_dimension_numbers<[1], [0], [0], [1], [0, 0, 1, 1], [], []>, transpose_lhs_hint = false} : vector<256x64xbf16>, vector<64x128xbf16>, vector<256x128xf32> -> vector<256x128xf32>
    %add3A_298 = arith.addf %dot_general3A_295, %dot_general3A_297 : vector<256x128xf32>
    %swap3A_299 = arith.index_cast %rem3A_0 : i32 to index
    %swap3A_300 = arith.constant 0 : index
    %swap3A_301 = arith.constant 896 : index
    %swap3A_302 = vector.load %arg8[%swap3A_299, %swap3A_300, %swap3A_301] : memref<4x256x2560xf32, #tpu.memory_space<vmem>>, vector<1x256x128xf32>
    %swap3A_303 = vector.shape_cast %swap3A_302 : vector<1x256x128xf32> to vector<256x128xf32>
    %swap3A_304 = vector.shape_cast %add3A_298 : vector<256x128xf32> to vector<1x256x128xf32>
    tpu.vector_store %arg8[%swap3A_299, %swap3A_300, %swap3A_301], %swap3A_304 {strides = array<i32>} : memref<4x256x2560xf32, #tpu.memory_space<vmem>>, vector<1x256x128xf32>,
    %slice3A_305 = vector.extract_strided_slice %get3A_4 {offsets = [0, 8], sizes = [256, 1], strides = [1, 1]} : vector<256x20xi32> to vector<256x1xi32>
    %eq3A_306 = vector.broadcast %slice3A_305 : vector<256x1xi32> to vector<256x128xi32>
    %eq3A_307 = arith.cmpi eq, %eq3A_306, %iota3A : vector<256x128xi32>
    %convert_element_type3A_308 = arith.extui %eq3A_307 : vector<256x128xi1> to vector<256x128xi32>
    %convert_element_type3A_309 = arith.sitofp %convert_element_type3A_308 : vector<256x128xi32> to vector<256x128xf32>
    %convert_element_type3A_310 = arith.truncf %convert_element_type3A_309 : vector<256x128xf32> to vector<256x128xbf16>
    %slice3A_311 = vector.extract_strided_slice %get3A_7 {offsets = [0, 8], sizes = [256, 1], strides = [1, 1]} : vector<256x20xf32> to vector<256x1xf32>
    %get3A_312 = arith.constant 0 : index
    %get3A_313 = arith.constant 0 : index
    %get3A_314 = vector.load %arg4[%get3A_312, %get3A_313] : memref<1x64xf32, #tpu.memory_space<vmem>>, vector<1x64xf32>
    %mul3A_315 = vector.broadcast %slice3A_311 : vector<256x1xf32> to vector<256x64xf32>
    %mul3A_316 = vector.broadcast %get3A_314 : vector<1x64xf32> to vector<256x64xf32>
    %mul3A_317 = arith.mulf %mul3A_315, %mul3A_316 : vector<256x64xf32>
    %get3A_318 = arith.constant 0 : index
    %get3A_319 = arith.constant 0 : index
    %get3A_320 = vector.load %arg5[%get3A_318, %get3A_319] : memref<1x64xf32, #tpu.memory_space<vmem>>, vector<1x64xf32>
    %add3A_321 = vector.broadcast %get3A_320 : vector<1x64xf32> to vector<256x64xf32>
    %add3A_322 = arith.addf %mul3A_317, %add3A_321 : vector<256x64xf32>
    %logistic3A_323 = arith.negf %add3A_322 : vector<256x64xf32>
    %logistic3A_324 = math.exp %logistic3A_323 : vector<256x64xf32>
    %logistic3A_325 = arith.constant 1.000000e+00 : f32
    %logistic3A_326 = vector.broadcast %logistic3A_325 : f32 to vector<256x64xf32>
    %logistic3A_327 = arith.addf %logistic3A_326, %logistic3A_324 : vector<256x64xf32>
    %logistic3A_328 = arith.divf %logistic3A_326, %logistic3A_327 : vector<256x64xf32>
    %mul3A_329 = arith.mulf %add3A_322, %logistic3A_328 : vector<256x64xf32>
    %convert_element_type3A_330 = arith.truncf %mul3A_329 : vector<256x64xf32> to vector<256x64xbf16>
    %dot_general3A_331 = arith.constant dense<0.000000e+00> : vector<256x128xf32>
    %dot_general3A_332 = tpu.matmul %convert_element_type3A_310, %convert_element_type3A_11, %dot_general3A_331 {dimension_numbers = #tpu.dot_dimension_numbers<[1], [0], [0], [1], [0, 0, 1, 1], [], []>, transpose_lhs_hint = false} : vector<256x128xbf16>, vector<128x128xbf16>, vector<256x128xf32> -> vector<256x128xf32>
    %dot_general3A_333 = arith.constant dense<0.000000e+00> : vector<256x128xf32>
    %dot_general3A_334 = tpu.matmul %convert_element_type3A_330, %convert_element_type3A_15, %dot_general3A_333 {dimension_numbers = #tpu.dot_dimension_numbers<[1], [0], [0], [1], [0, 0, 1, 1], [], []>, transpose_lhs_hint = false} : vector<256x64xbf16>, vector<64x128xbf16>, vector<256x128xf32> -> vector<256x128xf32>
    %add3A_335 = arith.addf %dot_general3A_332, %dot_general3A_334 : vector<256x128xf32>
    %swap3A_336 = arith.index_cast %rem3A_0 : i32 to index
    %swap3A_337 = arith.constant 0 : index
    %swap3A_338 = arith.constant 1024 : index
    %swap3A_339 = vector.load %arg8[%swap3A_336, %swap3A_337, %swap3A_338] : memref<4x256x2560xf32, #tpu.memory_space<vmem>>, vector<1x256x128xf32>
    %swap3A_340 = vector.shape_cast %swap3A_339 : vector<1x256x128xf32> to vector<256x128xf32>
    %swap3A_341 = vector.shape_cast %add3A_335 : vector<256x128xf32> to vector<1x256x128xf32>
    tpu.vector_store %arg8[%swap3A_336, %swap3A_337, %swap3A_338], %swap3A_341 {strides = array<i32>} : memref<4x256x2560xf32, #tpu.memory_space<vmem>>, vector<1x256x128xf32>,
    %slice3A_342 = vector.extract_strided_slice %get3A_4 {offsets = [0, 9], sizes = [256, 1], strides = [1, 1]} : vector<256x20xi32> to vector<256x1xi32>
    %eq3A_343 = vector.broadcast %slice3A_342 : vector<256x1xi32> to vector<256x128xi32>
    %eq3A_344 = arith.cmpi eq, %eq3A_343, %iota3A : vector<256x128xi32>
    %convert_element_type3A_345 = arith.extui %eq3A_344 : vector<256x128xi1> to vector<256x128xi32>
    %convert_element_type3A_346 = arith.sitofp %convert_element_type3A_345 : vector<256x128xi32> to vector<256x128xf32>
    %convert_element_type3A_347 = arith.truncf %convert_element_type3A_346 : vector<256x128xf32> to vector<256x128xbf16>
    %slice3A_348 = vector.extract_strided_slice %get3A_7 {offsets = [0, 9], sizes = [256, 1], strides = [1, 1]} : vector<256x20xf32> to vector<256x1xf32>
    %get3A_349 = arith.constant 0 : index
    %get3A_350 = arith.constant 0 : index
    %get3A_351 = vector.load %arg4[%get3A_349, %get3A_350] : memref<1x64xf32, #tpu.memory_space<vmem>>, vector<1x64xf32>
    %mul3A_352 = vector.broadcast %slice3A_348 : vector<256x1xf32> to vector<256x64xf32>
    %mul3A_353 = vector.broadcast %get3A_351 : vector<1x64xf32> to vector<256x64xf32>
    %mul3A_354 = arith.mulf %mul3A_352, %mul3A_353 : vector<256x64xf32>
    %get3A_355 = arith.constant 0 : index
    %get3A_356 = arith.constant 0 : index
    %get3A_357 = vector.load %arg5[%get3A_355, %get3A_356] : memref<1x64xf32, #tpu.memory_space<vmem>>, vector<1x64xf32>
    %add3A_358 = vector.broadcast %get3A_357 : vector<1x64xf32> to vector<256x64xf32>
    %add3A_359 = arith.addf %mul3A_354, %add3A_358 : vector<256x64xf32>
    %logistic3A_360 = arith.negf %add3A_359 : vector<256x64xf32>
    %logistic3A_361 = math.exp %logistic3A_360 : vector<256x64xf32>
    %logistic3A_362 = arith.constant 1.000000e+00 : f32
    %logistic3A_363 = vector.broadcast %logistic3A_362 : f32 to vector<256x64xf32>
    %logistic3A_364 = arith.addf %logistic3A_363, %logistic3A_361 : vector<256x64xf32>
    %logistic3A_365 = arith.divf %logistic3A_363, %logistic3A_364 : vector<256x64xf32>
    %mul3A_366 = arith.mulf %add3A_359, %logistic3A_365 : vector<256x64xf32>
    %convert_element_type3A_367 = arith.truncf %mul3A_366 : vector<256x64xf32> to vector<256x64xbf16>
    %dot_general3A_368 = arith.constant dense<0.000000e+00> : vector<256x128xf32>
    %dot_general3A_369 = tpu.matmul %convert_element_type3A_347, %convert_element_type3A_11, %dot_general3A_368 {dimension_numbers = #tpu.dot_dimension_numbers<[1], [0], [0], [1], [0, 0, 1, 1], [], []>, transpose_lhs_hint = false} : vector<256x128xbf16>, vector<128x128xbf16>, vector<256x128xf32> -> vector<256x128xf32>
    %dot_general3A_370 = arith.constant dense<0.000000e+00> : vector<256x128xf32>
    %dot_general3A_371 = tpu.matmul %convert_element_type3A_367, %convert_element_type3A_15, %dot_general3A_370 {dimension_numbers = #tpu.dot_dimension_numbers<[1], [0], [0], [1], [0, 0, 1, 1], [], []>, transpose_lhs_hint = false} : vector<256x64xbf16>, vector<64x128xbf16>, vector<256x128xf32> -> vector<256x128xf32>
    %add3A_372 = arith.addf %dot_general3A_369, %dot_general3A_371 : vector<256x128xf32>
    %swap3A_373 = arith.index_cast %rem3A_0 : i32 to index
    %swap3A_374 = arith.constant 0 : index
    %swap3A_375 = arith.constant 1152 : index
    %swap3A_376 = vector.load %arg8[%swap3A_373, %swap3A_374, %swap3A_375] : memref<4x256x2560xf32, #tpu.memory_space<vmem>>, vector<1x256x128xf32>
    %swap3A_377 = vector.shape_cast %swap3A_376 : vector<1x256x128xf32> to vector<256x128xf32>
    %swap3A_378 = vector.shape_cast %add3A_372 : vector<256x128xf32> to vector<1x256x128xf32>
    tpu.vector_store %arg8[%swap3A_373, %swap3A_374, %swap3A_375], %swap3A_378 {strides = array<i32>} : memref<4x256x2560xf32, #tpu.memory_space<vmem>>, vector<1x256x128xf32>,
    %slice3A_379 = vector.extract_strided_slice %get3A_4 {offsets = [0, 10], sizes = [256, 1], strides = [1, 1]} : vector<256x20xi32> to vector<256x1xi32>
    %eq3A_380 = vector.broadcast %slice3A_379 : vector<256x1xi32> to vector<256x128xi32>
    %eq3A_381 = arith.cmpi eq, %eq3A_380, %iota3A : vector<256x128xi32>
    %convert_element_type3A_382 = arith.extui %eq3A_381 : vector<256x128xi1> to vector<256x128xi32>
    %convert_element_type3A_383 = arith.sitofp %convert_element_type3A_382 : vector<256x128xi32> to vector<256x128xf32>
    %convert_element_type3A_384 = arith.truncf %convert_element_type3A_383 : vector<256x128xf32> to vector<256x128xbf16>
    %slice3A_385 = vector.extract_strided_slice %get3A_7 {offsets = [0, 10], sizes = [256, 1], strides = [1, 1]} : vector<256x20xf32> to vector<256x1xf32>
    %get3A_386 = arith.constant 0 : index
    %get3A_387 = arith.constant 0 : index
    %get3A_388 = vector.load %arg4[%get3A_386, %get3A_387] : memref<1x64xf32, #tpu.memory_space<vmem>>, vector<1x64xf32>
    %mul3A_389 = vector.broadcast %slice3A_385 : vector<256x1xf32> to vector<256x64xf32>
    %mul3A_390 = vector.broadcast %get3A_388 : vector<1x64xf32> to vector<256x64xf32>
    %mul3A_391 = arith.mulf %mul3A_389, %mul3A_390 : vector<256x64xf32>
    %get3A_392 = arith.constant 0 : index
    %get3A_393 = arith.constant 0 : index
    %get3A_394 = vector.load %arg5[%get3A_392, %get3A_393] : memref<1x64xf32, #tpu.memory_space<vmem>>, vector<1x64xf32>
    %add3A_395 = vector.broadcast %get3A_394 : vector<1x64xf32> to vector<256x64xf32>
    %add3A_396 = arith.addf %mul3A_391, %add3A_395 : vector<256x64xf32>
    %logistic3A_397 = arith.negf %add3A_396 : vector<256x64xf32>
    %logistic3A_398 = math.exp %logistic3A_397 : vector<256x64xf32>
    %logistic3A_399 = arith.constant 1.000000e+00 : f32
    %logistic3A_400 = vector.broadcast %logistic3A_399 : f32 to vector<256x64xf32>
    %logistic3A_401 = arith.addf %logistic3A_400, %logistic3A_398 : vector<256x64xf32>
    %logistic3A_402 = arith.divf %logistic3A_400, %logistic3A_401 : vector<256x64xf32>
    %mul3A_403 = arith.mulf %add3A_396, %logistic3A_402 : vector<256x64xf32>
    %convert_element_type3A_404 = arith.truncf %mul3A_403 : vector<256x64xf32> to vector<256x64xbf16>
    %dot_general3A_405 = arith.constant dense<0.000000e+00> : vector<256x128xf32>
    %dot_general3A_406 = tpu.matmul %convert_element_type3A_384, %convert_element_type3A_11, %dot_general3A_405 {dimension_numbers = #tpu.dot_dimension_numbers<[1], [0], [0], [1], [0, 0, 1, 1], [], []>, transpose_lhs_hint = false} : vector<256x128xbf16>, vector<128x128xbf16>, vector<256x128xf32> -> vector<256x128xf32>
    %dot_general3A_407 = arith.constant dense<0.000000e+00> : vector<256x128xf32>
    %dot_general3A_408 = tpu.matmul %convert_element_type3A_404, %convert_element_type3A_15, %dot_general3A_407 {dimension_numbers = #tpu.dot_dimension_numbers<[1], [0], [0], [1], [0, 0, 1, 1], [], []>, transpose_lhs_hint = false} : vector<256x64xbf16>, vector<64x128xbf16>, vector<256x128xf32> -> vector<256x128xf32>
    %add3A_409 = arith.addf %dot_general3A_406, %dot_general3A_408 : vector<256x128xf32>
    %swap3A_410 = arith.index_cast %rem3A_0 : i32 to index
    %swap3A_411 = arith.constant 0 : index
    %swap3A_412 = arith.constant 1280 : index
    %swap3A_413 = vector.load %arg8[%swap3A_410, %swap3A_411, %swap3A_412] : memref<4x256x2560xf32, #tpu.memory_space<vmem>>, vector<1x256x128xf32>
    %swap3A_414 = vector.shape_cast %swap3A_413 : vector<1x256x128xf32> to vector<256x128xf32>
    %swap3A_415 = vector.shape_cast %add3A_409 : vector<256x128xf32> to vector<1x256x128xf32>
    tpu.vector_store %arg8[%swap3A_410, %swap3A_411, %swap3A_412], %swap3A_415 {strides = array<i32>} : memref<4x256x2560xf32, #tpu.memory_space<vmem>>, vector<1x256x128xf32>,
    %slice3A_416 = vector.extract_strided_slice %get3A_4 {offsets = [0, 11], sizes = [256, 1], strides = [1, 1]} : vector<256x20xi32> to vector<256x1xi32>
    %eq3A_417 = vector.broadcast %slice3A_416 : vector<256x1xi32> to vector<256x128xi32>
    %eq3A_418 = arith.cmpi eq, %eq3A_417, %iota3A : vector<256x128xi32>
    %convert_element_type3A_419 = arith.extui %eq3A_418 : vector<256x128xi1> to vector<256x128xi32>
    %convert_element_type3A_420 = arith.sitofp %convert_element_type3A_419 : vector<256x128xi32> to vector<256x128xf32>
    %convert_element_type3A_421 = arith.truncf %convert_element_type3A_420 : vector<256x128xf32> to vector<256x128xbf16>
    %slice3A_422 = vector.extract_strided_slice %get3A_7 {offsets = [0, 11], sizes = [256, 1], strides = [1, 1]} : vector<256x20xf32> to vector<256x1xf32>
    %get3A_423 = arith.constant 0 : index
    %get3A_424 = arith.constant 0 : index
    %get3A_425 = vector.load %arg4[%get3A_423, %get3A_424] : memref<1x64xf32, #tpu.memory_space<vmem>>, vector<1x64xf32>
    %mul3A_426 = vector.broadcast %slice3A_422 : vector<256x1xf32> to vector<256x64xf32>
    %mul3A_427 = vector.broadcast %get3A_425 : vector<1x64xf32> to vector<256x64xf32>
    %mul3A_428 = arith.mulf %mul3A_426, %mul3A_427 : vector<256x64xf32>
    %get3A_429 = arith.constant 0 : index
    %get3A_430 = arith.constant 0 : index
    %get3A_431 = vector.load %arg5[%get3A_429, %get3A_430] : memref<1x64xf32, #tpu.memory_space<vmem>>, vector<1x64xf32>
    %add3A_432 = vector.broadcast %get3A_431 : vector<1x64xf32> to vector<256x64xf32>
    %add3A_433 = arith.addf %mul3A_428, %add3A_432 : vector<256x64xf32>
    %logistic3A_434 = arith.negf %add3A_433 : vector<256x64xf32>
    %logistic3A_435 = math.exp %logistic3A_434 : vector<256x64xf32>
    %logistic3A_436 = arith.constant 1.000000e+00 : f32
    %logistic3A_437 = vector.broadcast %logistic3A_436 : f32 to vector<256x64xf32>
    %logistic3A_438 = arith.addf %logistic3A_437, %logistic3A_435 : vector<256x64xf32>
    %logistic3A_439 = arith.divf %logistic3A_437, %logistic3A_438 : vector<256x64xf32>
    %mul3A_440 = arith.mulf %add3A_433, %logistic3A_439 : vector<256x64xf32>
    %convert_element_type3A_441 = arith.truncf %mul3A_440 : vector<256x64xf32> to vector<256x64xbf16>
    %dot_general3A_442 = arith.constant dense<0.000000e+00> : vector<256x128xf32>
    %dot_general3A_443 = tpu.matmul %convert_element_type3A_421, %convert_element_type3A_11, %dot_general3A_442 {dimension_numbers = #tpu.dot_dimension_numbers<[1], [0], [0], [1], [0, 0, 1, 1], [], []>, transpose_lhs_hint = false} : vector<256x128xbf16>, vector<128x128xbf16>, vector<256x128xf32> -> vector<256x128xf32>
    %dot_general3A_444 = arith.constant dense<0.000000e+00> : vector<256x128xf32>
    %dot_general3A_445 = tpu.matmul %convert_element_type3A_441, %convert_element_type3A_15, %dot_general3A_444 {dimension_numbers = #tpu.dot_dimension_numbers<[1], [0], [0], [1], [0, 0, 1, 1], [], []>, transpose_lhs_hint = false} : vector<256x64xbf16>, vector<64x128xbf16>, vector<256x128xf32> -> vector<256x128xf32>
    %add3A_446 = arith.addf %dot_general3A_443, %dot_general3A_445 : vector<256x128xf32>
    %swap3A_447 = arith.index_cast %rem3A_0 : i32 to index
    %swap3A_448 = arith.constant 0 : index
    %swap3A_449 = arith.constant 1408 : index
    %swap3A_450 = vector.load %arg8[%swap3A_447, %swap3A_448, %swap3A_449] : memref<4x256x2560xf32, #tpu.memory_space<vmem>>, vector<1x256x128xf32>
    %swap3A_451 = vector.shape_cast %swap3A_450 : vector<1x256x128xf32> to vector<256x128xf32>
    %swap3A_452 = vector.shape_cast %add3A_446 : vector<256x128xf32> to vector<1x256x128xf32>
    tpu.vector_store %arg8[%swap3A_447, %swap3A_448, %swap3A_449], %swap3A_452 {strides = array<i32>} : memref<4x256x2560xf32, #tpu.memory_space<vmem>>, vector<1x256x128xf32>,
    %slice3A_453 = vector.extract_strided_slice %get3A_4 {offsets = [0, 12], sizes = [256, 1], strides = [1, 1]} : vector<256x20xi32> to vector<256x1xi32>
    %eq3A_454 = vector.broadcast %slice3A_453 : vector<256x1xi32> to vector<256x128xi32>
    %eq3A_455 = arith.cmpi eq, %eq3A_454, %iota3A : vector<256x128xi32>
    %convert_element_type3A_456 = arith.extui %eq3A_455 : vector<256x128xi1> to vector<256x128xi32>
    %convert_element_type3A_457 = arith.sitofp %convert_element_type3A_456 : vector<256x128xi32> to vector<256x128xf32>
    %convert_element_type3A_458 = arith.truncf %convert_element_type3A_457 : vector<256x128xf32> to vector<256x128xbf16>
    %slice3A_459 = vector.extract_strided_slice %get3A_7 {offsets = [0, 12], sizes = [256, 1], strides = [1, 1]} : vector<256x20xf32> to vector<256x1xf32>
    %get3A_460 = arith.constant 0 : index
    %get3A_461 = arith.constant 0 : index
    %get3A_462 = vector.load %arg4[%get3A_460, %get3A_461] : memref<1x64xf32, #tpu.memory_space<vmem>>, vector<1x64xf32>
    %mul3A_463 = vector.broadcast %slice3A_459 : vector<256x1xf32> to vector<256x64xf32>
    %mul3A_464 = vector.broadcast %get3A_462 : vector<1x64xf32> to vector<256x64xf32>
    %mul3A_465 = arith.mulf %mul3A_463, %mul3A_464 : vector<256x64xf32>
    %get3A_466 = arith.constant 0 : index
    %get3A_467 = arith.constant 0 : index
    %get3A_468 = vector.load %arg5[%get3A_466, %get3A_467] : memref<1x64xf32, #tpu.memory_space<vmem>>, vector<1x64xf32>
    %add3A_469 = vector.broadcast %get3A_468 : vector<1x64xf32> to vector<256x64xf32>
    %add3A_470 = arith.addf %mul3A_465, %add3A_469 : vector<256x64xf32>
    %logistic3A_471 = arith.negf %add3A_470 : vector<256x64xf32>
    %logistic3A_472 = math.exp %logistic3A_471 : vector<256x64xf32>
    %logistic3A_473 = arith.constant 1.000000e+00 : f32
    %logistic3A_474 = vector.broadcast %logistic3A_473 : f32 to vector<256x64xf32>
    %logistic3A_475 = arith.addf %logistic3A_474, %logistic3A_472 : vector<256x64xf32>
    %logistic3A_476 = arith.divf %logistic3A_474, %logistic3A_475 : vector<256x64xf32>
    %mul3A_477 = arith.mulf %add3A_470, %logistic3A_476 : vector<256x64xf32>
    %convert_element_type3A_478 = arith.truncf %mul3A_477 : vector<256x64xf32> to vector<256x64xbf16>
    %dot_general3A_479 = arith.constant dense<0.000000e+00> : vector<256x128xf32>
    %dot_general3A_480 = tpu.matmul %convert_element_type3A_458, %convert_element_type3A_11, %dot_general3A_479 {dimension_numbers = #tpu.dot_dimension_numbers<[1], [0], [0], [1], [0, 0, 1, 1], [], []>, transpose_lhs_hint = false} : vector<256x128xbf16>, vector<128x128xbf16>, vector<256x128xf32> -> vector<256x128xf32>
    %dot_general3A_481 = arith.constant dense<0.000000e+00> : vector<256x128xf32>
    %dot_general3A_482 = tpu.matmul %convert_element_type3A_478, %convert_element_type3A_15, %dot_general3A_481 {dimension_numbers = #tpu.dot_dimension_numbers<[1], [0], [0], [1], [0, 0, 1, 1], [], []>, transpose_lhs_hint = false} : vector<256x64xbf16>, vector<64x128xbf16>, vector<256x128xf32> -> vector<256x128xf32>
    %add3A_483 = arith.addf %dot_general3A_480, %dot_general3A_482 : vector<256x128xf32>
    %swap3A_484 = arith.index_cast %rem3A_0 : i32 to index
    %swap3A_485 = arith.constant 0 : index
    %swap3A_486 = arith.constant 1536 : index
    %swap3A_487 = vector.load %arg8[%swap3A_484, %swap3A_485, %swap3A_486] : memref<4x256x2560xf32, #tpu.memory_space<vmem>>, vector<1x256x128xf32>
    %swap3A_488 = vector.shape_cast %swap3A_487 : vector<1x256x128xf32> to vector<256x128xf32>
    %swap3A_489 = vector.shape_cast %add3A_483 : vector<256x128xf32> to vector<1x256x128xf32>
    tpu.vector_store %arg8[%swap3A_484, %swap3A_485, %swap3A_486], %swap3A_489 {strides = array<i32>} : memref<4x256x2560xf32, #tpu.memory_space<vmem>>, vector<1x256x128xf32>,
    %slice3A_490 = vector.extract_strided_slice %get3A_4 {offsets = [0, 13], sizes = [256, 1], strides = [1, 1]} : vector<256x20xi32> to vector<256x1xi32>
    %eq3A_491 = vector.broadcast %slice3A_490 : vector<256x1xi32> to vector<256x128xi32>
    %eq3A_492 = arith.cmpi eq, %eq3A_491, %iota3A : vector<256x128xi32>
    %convert_element_type3A_493 = arith.extui %eq3A_492 : vector<256x128xi1> to vector<256x128xi32>
    %convert_element_type3A_494 = arith.sitofp %convert_element_type3A_493 : vector<256x128xi32> to vector<256x128xf32>
    %convert_element_type3A_495 = arith.truncf %convert_element_type3A_494 : vector<256x128xf32> to vector<256x128xbf16>
    %slice3A_496 = vector.extract_strided_slice %get3A_7 {offsets = [0, 13], sizes = [256, 1], strides = [1, 1]} : vector<256x20xf32> to vector<256x1xf32>
    %get3A_497 = arith.constant 0 : index
    %get3A_498 = arith.constant 0 : index
    %get3A_499 = vector.load %arg4[%get3A_497, %get3A_498] : memref<1x64xf32, #tpu.memory_space<vmem>>, vector<1x64xf32>
    %mul3A_500 = vector.broadcast %slice3A_496 : vector<256x1xf32> to vector<256x64xf32>
    %mul3A_501 = vector.broadcast %get3A_499 : vector<1x64xf32> to vector<256x64xf32>
    %mul3A_502 = arith.mulf %mul3A_500, %mul3A_501 : vector<256x64xf32>
    %get3A_503 = arith.constant 0 : index
    %get3A_504 = arith.constant 0 : index
    %get3A_505 = vector.load %arg5[%get3A_503, %get3A_504] : memref<1x64xf32, #tpu.memory_space<vmem>>, vector<1x64xf32>
    %add3A_506 = vector.broadcast %get3A_505 : vector<1x64xf32> to vector<256x64xf32>
    %add3A_507 = arith.addf %mul3A_502, %add3A_506 : vector<256x64xf32>
    %logistic3A_508 = arith.negf %add3A_507 : vector<256x64xf32>
    %logistic3A_509 = math.exp %logistic3A_508 : vector<256x64xf32>
    %logistic3A_510 = arith.constant 1.000000e+00 : f32
    %logistic3A_511 = vector.broadcast %logistic3A_510 : f32 to vector<256x64xf32>
    %logistic3A_512 = arith.addf %logistic3A_511, %logistic3A_509 : vector<256x64xf32>
    %logistic3A_513 = arith.divf %logistic3A_511, %logistic3A_512 : vector<256x64xf32>
    %mul3A_514 = arith.mulf %add3A_507, %logistic3A_513 : vector<256x64xf32>
    %convert_element_type3A_515 = arith.truncf %mul3A_514 : vector<256x64xf32> to vector<256x64xbf16>
    %dot_general3A_516 = arith.constant dense<0.000000e+00> : vector<256x128xf32>
    %dot_general3A_517 = tpu.matmul %convert_element_type3A_495, %convert_element_type3A_11, %dot_general3A_516 {dimension_numbers = #tpu.dot_dimension_numbers<[1], [0], [0], [1], [0, 0, 1, 1], [], []>, transpose_lhs_hint = false} : vector<256x128xbf16>, vector<128x128xbf16>, vector<256x128xf32> -> vector<256x128xf32>
    %dot_general3A_518 = arith.constant dense<0.000000e+00> : vector<256x128xf32>
    %dot_general3A_519 = tpu.matmul %convert_element_type3A_515, %convert_element_type3A_15, %dot_general3A_518 {dimension_numbers = #tpu.dot_dimension_numbers<[1], [0], [0], [1], [0, 0, 1, 1], [], []>, transpose_lhs_hint = false} : vector<256x64xbf16>, vector<64x128xbf16>, vector<256x128xf32> -> vector<256x128xf32>
    %add3A_520 = arith.addf %dot_general3A_517, %dot_general3A_519 : vector<256x128xf32>
    %swap3A_521 = arith.index_cast %rem3A_0 : i32 to index
    %swap3A_522 = arith.constant 0 : index
    %swap3A_523 = arith.constant 1664 : index
    %swap3A_524 = vector.load %arg8[%swap3A_521, %swap3A_522, %swap3A_523] : memref<4x256x2560xf32, #tpu.memory_space<vmem>>, vector<1x256x128xf32>
    %swap3A_525 = vector.shape_cast %swap3A_524 : vector<1x256x128xf32> to vector<256x128xf32>
    %swap3A_526 = vector.shape_cast %add3A_520 : vector<256x128xf32> to vector<1x256x128xf32>
    tpu.vector_store %arg8[%swap3A_521, %swap3A_522, %swap3A_523], %swap3A_526 {strides = array<i32>} : memref<4x256x2560xf32, #tpu.memory_space<vmem>>, vector<1x256x128xf32>,
    %slice3A_527 = vector.extract_strided_slice %get3A_4 {offsets = [0, 14], sizes = [256, 1], strides = [1, 1]} : vector<256x20xi32> to vector<256x1xi32>
    %eq3A_528 = vector.broadcast %slice3A_527 : vector<256x1xi32> to vector<256x128xi32>
    %eq3A_529 = arith.cmpi eq, %eq3A_528, %iota3A : vector<256x128xi32>
    %convert_element_type3A_530 = arith.extui %eq3A_529 : vector<256x128xi1> to vector<256x128xi32>
    %convert_element_type3A_531 = arith.sitofp %convert_element_type3A_530 : vector<256x128xi32> to vector<256x128xf32>
    %convert_element_type3A_532 = arith.truncf %convert_element_type3A_531 : vector<256x128xf32> to vector<256x128xbf16>
    %slice3A_533 = vector.extract_strided_slice %get3A_7 {offsets = [0, 14], sizes = [256, 1], strides = [1, 1]} : vector<256x20xf32> to vector<256x1xf32>
    %get3A_534 = arith.constant 0 : index
    %get3A_535 = arith.constant 0 : index
    %get3A_536 = vector.load %arg4[%get3A_534, %get3A_535] : memref<1x64xf32, #tpu.memory_space<vmem>>, vector<1x64xf32>
    %mul3A_537 = vector.broadcast %slice3A_533 : vector<256x1xf32> to vector<256x64xf32>
    %mul3A_538 = vector.broadcast %get3A_536 : vector<1x64xf32> to vector<256x64xf32>
    %mul3A_539 = arith.mulf %mul3A_537, %mul3A_538 : vector<256x64xf32>
    %get3A_540 = arith.constant 0 : index
    %get3A_541 = arith.constant 0 : index
    %get3A_542 = vector.load %arg5[%get3A_540, %get3A_541] : memref<1x64xf32, #tpu.memory_space<vmem>>, vector<1x64xf32>
    %add3A_543 = vector.broadcast %get3A_542 : vector<1x64xf32> to vector<256x64xf32>
    %add3A_544 = arith.addf %mul3A_539, %add3A_543 : vector<256x64xf32>
    %logistic3A_545 = arith.negf %add3A_544 : vector<256x64xf32>
    %logistic3A_546 = math.exp %logistic3A_545 : vector<256x64xf32>
    %logistic3A_547 = arith.constant 1.000000e+00 : f32
    %logistic3A_548 = vector.broadcast %logistic3A_547 : f32 to vector<256x64xf32>
    %logistic3A_549 = arith.addf %logistic3A_548, %logistic3A_546 : vector<256x64xf32>
    %logistic3A_550 = arith.divf %logistic3A_548, %logistic3A_549 : vector<256x64xf32>
    %mul3A_551 = arith.mulf %add3A_544, %logistic3A_550 : vector<256x64xf32>
    %convert_element_type3A_552 = arith.truncf %mul3A_551 : vector<256x64xf32> to vector<256x64xbf16>
    %dot_general3A_553 = arith.constant dense<0.000000e+00> : vector<256x128xf32>
    %dot_general3A_554 = tpu.matmul %convert_element_type3A_532, %convert_element_type3A_11, %dot_general3A_553 {dimension_numbers = #tpu.dot_dimension_numbers<[1], [0], [0], [1], [0, 0, 1, 1], [], []>, transpose_lhs_hint = false} : vector<256x128xbf16>, vector<128x128xbf16>, vector<256x128xf32> -> vector<256x128xf32>
    %dot_general3A_555 = arith.constant dense<0.000000e+00> : vector<256x128xf32>
    %dot_general3A_556 = tpu.matmul %convert_element_type3A_552, %convert_element_type3A_15, %dot_general3A_555 {dimension_numbers = #tpu.dot_dimension_numbers<[1], [0], [0], [1], [0, 0, 1, 1], [], []>, transpose_lhs_hint = false} : vector<256x64xbf16>, vector<64x128xbf16>, vector<256x128xf32> -> vector<256x128xf32>
    %add3A_557 = arith.addf %dot_general3A_554, %dot_general3A_556 : vector<256x128xf32>
    %swap3A_558 = arith.index_cast %rem3A_0 : i32 to index
    %swap3A_559 = arith.constant 0 : index
    %swap3A_560 = arith.constant 1792 : index
    %swap3A_561 = vector.load %arg8[%swap3A_558, %swap3A_559, %swap3A_560] : memref<4x256x2560xf32, #tpu.memory_space<vmem>>, vector<1x256x128xf32>
    %swap3A_562 = vector.shape_cast %swap3A_561 : vector<1x256x128xf32> to vector<256x128xf32>
    %swap3A_563 = vector.shape_cast %add3A_557 : vector<256x128xf32> to vector<1x256x128xf32>
    tpu.vector_store %arg8[%swap3A_558, %swap3A_559, %swap3A_560], %swap3A_563 {strides = array<i32>} : memref<4x256x2560xf32, #tpu.memory_space<vmem>>, vector<1x256x128xf32>,
    %slice3A_564 = vector.extract_strided_slice %get3A_4 {offsets = [0, 15], sizes = [256, 1], strides = [1, 1]} : vector<256x20xi32> to vector<256x1xi32>
    %eq3A_565 = vector.broadcast %slice3A_564 : vector<256x1xi32> to vector<256x128xi32>
    %eq3A_566 = arith.cmpi eq, %eq3A_565, %iota3A : vector<256x128xi32>
    %convert_element_type3A_567 = arith.extui %eq3A_566 : vector<256x128xi1> to vector<256x128xi32>
    %convert_element_type3A_568 = arith.sitofp %convert_element_type3A_567 : vector<256x128xi32> to vector<256x128xf32>
    %convert_element_type3A_569 = arith.truncf %convert_element_type3A_568 : vector<256x128xf32> to vector<256x128xbf16>
    %slice3A_570 = vector.extract_strided_slice %get3A_7 {offsets = [0, 15], sizes = [256, 1], strides = [1, 1]} : vector<256x20xf32> to vector<256x1xf32>
    %get3A_571 = arith.constant 0 : index
    %get3A_572 = arith.constant 0 : index
    %get3A_573 = vector.load %arg4[%get3A_571, %get3A_572] : memref<1x64xf32, #tpu.memory_space<vmem>>, vector<1x64xf32>
    %mul3A_574 = vector.broadcast %slice3A_570 : vector<256x1xf32> to vector<256x64xf32>
    %mul3A_575 = vector.broadcast %get3A_573 : vector<1x64xf32> to vector<256x64xf32>
    %mul3A_576 = arith.mulf %mul3A_574, %mul3A_575 : vector<256x64xf32>
    %get3A_577 = arith.constant 0 : index
    %get3A_578 = arith.constant 0 : index
    %get3A_579 = vector.load %arg5[%get3A_577, %get3A_578] : memref<1x64xf32, #tpu.memory_space<vmem>>, vector<1x64xf32>
    %add3A_580 = vector.broadcast %get3A_579 : vector<1x64xf32> to vector<256x64xf32>
    %add3A_581 = arith.addf %mul3A_576, %add3A_580 : vector<256x64xf32>
    %logistic3A_582 = arith.negf %add3A_581 : vector<256x64xf32>
    %logistic3A_583 = math.exp %logistic3A_582 : vector<256x64xf32>
    %logistic3A_584 = arith.constant 1.000000e+00 : f32
    %logistic3A_585 = vector.broadcast %logistic3A_584 : f32 to vector<256x64xf32>
    %logistic3A_586 = arith.addf %logistic3A_585, %logistic3A_583 : vector<256x64xf32>
    %logistic3A_587 = arith.divf %logistic3A_585, %logistic3A_586 : vector<256x64xf32>
    %mul3A_588 = arith.mulf %add3A_581, %logistic3A_587 : vector<256x64xf32>
    %convert_element_type3A_589 = arith.truncf %mul3A_588 : vector<256x64xf32> to vector<256x64xbf16>
    %dot_general3A_590 = arith.constant dense<0.000000e+00> : vector<256x128xf32>
    %dot_general3A_591 = tpu.matmul %convert_element_type3A_569, %convert_element_type3A_11, %dot_general3A_590 {dimension_numbers = #tpu.dot_dimension_numbers<[1], [0], [0], [1], [0, 0, 1, 1], [], []>, transpose_lhs_hint = false} : vector<256x128xbf16>, vector<128x128xbf16>, vector<256x128xf32> -> vector<256x128xf32>
    %dot_general3A_592 = arith.constant dense<0.000000e+00> : vector<256x128xf32>
    %dot_general3A_593 = tpu.matmul %convert_element_type3A_589, %convert_element_type3A_15, %dot_general3A_592 {dimension_numbers = #tpu.dot_dimension_numbers<[1], [0], [0], [1], [0, 0, 1, 1], [], []>, transpose_lhs_hint = false} : vector<256x64xbf16>, vector<64x128xbf16>, vector<256x128xf32> -> vector<256x128xf32>
    %add3A_594 = arith.addf %dot_general3A_591, %dot_general3A_593 : vector<256x128xf32>
    %swap3A_595 = arith.index_cast %rem3A_0 : i32 to index
    %swap3A_596 = arith.constant 0 : index
    %swap3A_597 = arith.constant 1920 : index
    %swap3A_598 = vector.load %arg8[%swap3A_595, %swap3A_596, %swap3A_597] : memref<4x256x2560xf32, #tpu.memory_space<vmem>>, vector<1x256x128xf32>
    %swap3A_599 = vector.shape_cast %swap3A_598 : vector<1x256x128xf32> to vector<256x128xf32>
    %swap3A_600 = vector.shape_cast %add3A_594 : vector<256x128xf32> to vector<1x256x128xf32>
    tpu.vector_store %arg8[%swap3A_595, %swap3A_596, %swap3A_597], %swap3A_600 {strides = array<i32>} : memref<4x256x2560xf32, #tpu.memory_space<vmem>>, vector<1x256x128xf32>,
    %slice3A_601 = vector.extract_strided_slice %get3A_4 {offsets = [0, 16], sizes = [256, 1], strides = [1, 1]} : vector<256x20xi32> to vector<256x1xi32>
    %eq3A_602 = vector.broadcast %slice3A_601 : vector<256x1xi32> to vector<256x128xi32>
    %eq3A_603 = arith.cmpi eq, %eq3A_602, %iota3A : vector<256x128xi32>
    %convert_element_type3A_604 = arith.extui %eq3A_603 : vector<256x128xi1> to vector<256x128xi32>
    %convert_element_type3A_605 = arith.sitofp %convert_element_type3A_604 : vector<256x128xi32> to vector<256x128xf32>
    %convert_element_type3A_606 = arith.truncf %convert_element_type3A_605 : vector<256x128xf32> to vector<256x128xbf16>
    %slice3A_607 = vector.extract_strided_slice %get3A_7 {offsets = [0, 16], sizes = [256, 1], strides = [1, 1]} : vector<256x20xf32> to vector<256x1xf32>
    %get3A_608 = arith.constant 0 : index
    %get3A_609 = arith.constant 0 : index
    %get3A_610 = vector.load %arg4[%get3A_608, %get3A_609] : memref<1x64xf32, #tpu.memory_space<vmem>>, vector<1x64xf32>
    %mul3A_611 = vector.broadcast %slice3A_607 : vector<256x1xf32> to vector<256x64xf32>
    %mul3A_612 = vector.broadcast %get3A_610 : vector<1x64xf32> to vector<256x64xf32>
    %mul3A_613 = arith.mulf %mul3A_611, %mul3A_612 : vector<256x64xf32>
    %get3A_614 = arith.constant 0 : index
    %get3A_615 = arith.constant 0 : index
    %get3A_616 = vector.load %arg5[%get3A_614, %get3A_615] : memref<1x64xf32, #tpu.memory_space<vmem>>, vector<1x64xf32>
    %add3A_617 = vector.broadcast %get3A_616 : vector<1x64xf32> to vector<256x64xf32>
    %add3A_618 = arith.addf %mul3A_613, %add3A_617 : vector<256x64xf32>
    %logistic3A_619 = arith.negf %add3A_618 : vector<256x64xf32>
    %logistic3A_620 = math.exp %logistic3A_619 : vector<256x64xf32>
    %logistic3A_621 = arith.constant 1.000000e+00 : f32
    %logistic3A_622 = vector.broadcast %logistic3A_621 : f32 to vector<256x64xf32>
    %logistic3A_623 = arith.addf %logistic3A_622, %logistic3A_620 : vector<256x64xf32>
    %logistic3A_624 = arith.divf %logistic3A_622, %logistic3A_623 : vector<256x64xf32>
    %mul3A_625 = arith.mulf %add3A_618, %logistic3A_624 : vector<256x64xf32>
    %convert_element_type3A_626 = arith.truncf %mul3A_625 : vector<256x64xf32> to vector<256x64xbf16>
    %dot_general3A_627 = arith.constant dense<0.000000e+00> : vector<256x128xf32>
    %dot_general3A_628 = tpu.matmul %convert_element_type3A_606, %convert_element_type3A_11, %dot_general3A_627 {dimension_numbers = #tpu.dot_dimension_numbers<[1], [0], [0], [1], [0, 0, 1, 1], [], []>, transpose_lhs_hint = false} : vector<256x128xbf16>, vector<128x128xbf16>, vector<256x128xf32> -> vector<256x128xf32>
    %dot_general3A_629 = arith.constant dense<0.000000e+00> : vector<256x128xf32>
    %dot_general3A_630 = tpu.matmul %convert_element_type3A_626, %convert_element_type3A_15, %dot_general3A_629 {dimension_numbers = #tpu.dot_dimension_numbers<[1], [0], [0], [1], [0, 0, 1, 1], [], []>, transpose_lhs_hint = false} : vector<256x64xbf16>, vector<64x128xbf16>, vector<256x128xf32> -> vector<256x128xf32>
    %add3A_631 = arith.addf %dot_general3A_628, %dot_general3A_630 : vector<256x128xf32>
    %swap3A_632 = arith.index_cast %rem3A_0 : i32 to index
    %swap3A_633 = arith.constant 0 : index
    %swap3A_634 = arith.constant 2048 : index
    %swap3A_635 = vector.load %arg8[%swap3A_632, %swap3A_633, %swap3A_634] : memref<4x256x2560xf32, #tpu.memory_space<vmem>>, vector<1x256x128xf32>
    %swap3A_636 = vector.shape_cast %swap3A_635 : vector<1x256x128xf32> to vector<256x128xf32>
    %swap3A_637 = vector.shape_cast %add3A_631 : vector<256x128xf32> to vector<1x256x128xf32>
    tpu.vector_store %arg8[%swap3A_632, %swap3A_633, %swap3A_634], %swap3A_637 {strides = array<i32>} : memref<4x256x2560xf32, #tpu.memory_space<vmem>>, vector<1x256x128xf32>,
    %slice3A_638 = vector.extract_strided_slice %get3A_4 {offsets = [0, 17], sizes = [256, 1], strides = [1, 1]} : vector<256x20xi32> to vector<256x1xi32>
    %eq3A_639 = vector.broadcast %slice3A_638 : vector<256x1xi32> to vector<256x128xi32>
    %eq3A_640 = arith.cmpi eq, %eq3A_639, %iota3A : vector<256x128xi32>
    %convert_element_type3A_641 = arith.extui %eq3A_640 : vector<256x128xi1> to vector<256x128xi32>
    %convert_element_type3A_642 = arith.sitofp %convert_element_type3A_641 : vector<256x128xi32> to vector<256x128xf32>
    %convert_element_type3A_643 = arith.truncf %convert_element_type3A_642 : vector<256x128xf32> to vector<256x128xbf16>
    %slice3A_644 = vector.extract_strided_slice %get3A_7 {offsets = [0, 17], sizes = [256, 1], strides = [1, 1]} : vector<256x20xf32> to vector<256x1xf32>
    %get3A_645 = arith.constant 0 : index
    %get3A_646 = arith.constant 0 : index
    %get3A_647 = vector.load %arg4[%get3A_645, %get3A_646] : memref<1x64xf32, #tpu.memory_space<vmem>>, vector<1x64xf32>
    %mul3A_648 = vector.broadcast %slice3A_644 : vector<256x1xf32> to vector<256x64xf32>
    %mul3A_649 = vector.broadcast %get3A_647 : vector<1x64xf32> to vector<256x64xf32>
    %mul3A_650 = arith.mulf %mul3A_648, %mul3A_649 : vector<256x64xf32>
    %get3A_651 = arith.constant 0 : index
    %get3A_652 = arith.constant 0 : index
    %get3A_653 = vector.load %arg5[%get3A_651, %get3A_652] : memref<1x64xf32, #tpu.memory_space<vmem>>, vector<1x64xf32>
    %add3A_654 = vector.broadcast %get3A_653 : vector<1x64xf32> to vector<256x64xf32>
    %add3A_655 = arith.addf %mul3A_650, %add3A_654 : vector<256x64xf32>
    %logistic3A_656 = arith.negf %add3A_655 : vector<256x64xf32>
    %logistic3A_657 = math.exp %logistic3A_656 : vector<256x64xf32>
    %logistic3A_658 = arith.constant 1.000000e+00 : f32
    %logistic3A_659 = vector.broadcast %logistic3A_658 : f32 to vector<256x64xf32>
    %logistic3A_660 = arith.addf %logistic3A_659, %logistic3A_657 : vector<256x64xf32>
    %logistic3A_661 = arith.divf %logistic3A_659, %logistic3A_660 : vector<256x64xf32>
    %mul3A_662 = arith.mulf %add3A_655, %logistic3A_661 : vector<256x64xf32>
    %convert_element_type3A_663 = arith.truncf %mul3A_662 : vector<256x64xf32> to vector<256x64xbf16>
    %dot_general3A_664 = arith.constant dense<0.000000e+00> : vector<256x128xf32>
    %dot_general3A_665 = tpu.matmul %convert_element_type3A_643, %convert_element_type3A_11, %dot_general3A_664 {dimension_numbers = #tpu.dot_dimension_numbers<[1], [0], [0], [1], [0, 0, 1, 1], [], []>, transpose_lhs_hint = false} : vector<256x128xbf16>, vector<128x128xbf16>, vector<256x128xf32> -> vector<256x128xf32>
    %dot_general3A_666 = arith.constant dense<0.000000e+00> : vector<256x128xf32>
    %dot_general3A_667 = tpu.matmul %convert_element_type3A_663, %convert_element_type3A_15, %dot_general3A_666 {dimension_numbers = #tpu.dot_dimension_numbers<[1], [0], [0], [1], [0, 0, 1, 1], [], []>, transpose_lhs_hint = false} : vector<256x64xbf16>, vector<64x128xbf16>, vector<256x128xf32> -> vector<256x128xf32>
    %add3A_668 = arith.addf %dot_general3A_665, %dot_general3A_667 : vector<256x128xf32>
    %swap3A_669 = arith.index_cast %rem3A_0 : i32 to index
    %swap3A_670 = arith.constant 0 : index
    %swap3A_671 = arith.constant 2176 : index
    %swap3A_672 = vector.load %arg8[%swap3A_669, %swap3A_670, %swap3A_671] : memref<4x256x2560xf32, #tpu.memory_space<vmem>>, vector<1x256x128xf32>
    %swap3A_673 = vector.shape_cast %swap3A_672 : vector<1x256x128xf32> to vector<256x128xf32>
    %swap3A_674 = vector.shape_cast %add3A_668 : vector<256x128xf32> to vector<1x256x128xf32>
    tpu.vector_store %arg8[%swap3A_669, %swap3A_670, %swap3A_671], %swap3A_674 {strides = array<i32>} : memref<4x256x2560xf32, #tpu.memory_space<vmem>>, vector<1x256x128xf32>,
    %slice3A_675 = vector.extract_strided_slice %get3A_4 {offsets = [0, 18], sizes = [256, 1], strides = [1, 1]} : vector<256x20xi32> to vector<256x1xi32>
    %eq3A_676 = vector.broadcast %slice3A_675 : vector<256x1xi32> to vector<256x128xi32>
    %eq3A_677 = arith.cmpi eq, %eq3A_676, %iota3A : vector<256x128xi32>
    %convert_element_type3A_678 = arith.extui %eq3A_677 : vector<256x128xi1> to vector<256x128xi32>
    %convert_element_type3A_679 = arith.sitofp %convert_element_type3A_678 : vector<256x128xi32> to vector<256x128xf32>
    %convert_element_type3A_680 = arith.truncf %convert_element_type3A_679 : vector<256x128xf32> to vector<256x128xbf16>
    %slice3A_681 = vector.extract_strided_slice %get3A_7 {offsets = [0, 18], sizes = [256, 1], strides = [1, 1]} : vector<256x20xf32> to vector<256x1xf32>
    %get3A_682 = arith.constant 0 : index
    %get3A_683 = arith.constant 0 : index
    %get3A_684 = vector.load %arg4[%get3A_682, %get3A_683] : memref<1x64xf32, #tpu.memory_space<vmem>>, vector<1x64xf32>
    %mul3A_685 = vector.broadcast %slice3A_681 : vector<256x1xf32> to vector<256x64xf32>
    %mul3A_686 = vector.broadcast %get3A_684 : vector<1x64xf32> to vector<256x64xf32>
    %mul3A_687 = arith.mulf %mul3A_685, %mul3A_686 : vector<256x64xf32>
    %get3A_688 = arith.constant 0 : index
    %get3A_689 = arith.constant 0 : index
    %get3A_690 = vector.load %arg5[%get3A_688, %get3A_689] : memref<1x64xf32, #tpu.memory_space<vmem>>, vector<1x64xf32>
    %add3A_691 = vector.broadcast %get3A_690 : vector<1x64xf32> to vector<256x64xf32>
    %add3A_692 = arith.addf %mul3A_687, %add3A_691 : vector<256x64xf32>
    %logistic3A_693 = arith.negf %add3A_692 : vector<256x64xf32>
    %logistic3A_694 = math.exp %logistic3A_693 : vector<256x64xf32>
    %logistic3A_695 = arith.constant 1.000000e+00 : f32
    %logistic3A_696 = vector.broadcast %logistic3A_695 : f32 to vector<256x64xf32>
    %logistic3A_697 = arith.addf %logistic3A_696, %logistic3A_694 : vector<256x64xf32>
    %logistic3A_698 = arith.divf %logistic3A_696, %logistic3A_697 : vector<256x64xf32>
    %mul3A_699 = arith.mulf %add3A_692, %logistic3A_698 : vector<256x64xf32>
    %convert_element_type3A_700 = arith.truncf %mul3A_699 : vector<256x64xf32> to vector<256x64xbf16>
    %dot_general3A_701 = arith.constant dense<0.000000e+00> : vector<256x128xf32>
    %dot_general3A_702 = tpu.matmul %convert_element_type3A_680, %convert_element_type3A_11, %dot_general3A_701 {dimension_numbers = #tpu.dot_dimension_numbers<[1], [0], [0], [1], [0, 0, 1, 1], [], []>, transpose_lhs_hint = false} : vector<256x128xbf16>, vector<128x128xbf16>, vector<256x128xf32> -> vector<256x128xf32>
    %dot_general3A_703 = arith.constant dense<0.000000e+00> : vector<256x128xf32>
    %dot_general3A_704 = tpu.matmul %convert_element_type3A_700, %convert_element_type3A_15, %dot_general3A_703 {dimension_numbers = #tpu.dot_dimension_numbers<[1], [0], [0], [1], [0, 0, 1, 1], [], []>, transpose_lhs_hint = false} : vector<256x64xbf16>, vector<64x128xbf16>, vector<256x128xf32> -> vector<256x128xf32>
    %add3A_705 = arith.addf %dot_general3A_702, %dot_general3A_704 : vector<256x128xf32>
    %swap3A_706 = arith.index_cast %rem3A_0 : i32 to index
    %swap3A_707 = arith.constant 0 : index
    %swap3A_708 = arith.constant 2304 : index
    %swap3A_709 = vector.load %arg8[%swap3A_706, %swap3A_707, %swap3A_708] : memref<4x256x2560xf32, #tpu.memory_space<vmem>>, vector<1x256x128xf32>
    %swap3A_710 = vector.shape_cast %swap3A_709 : vector<1x256x128xf32> to vector<256x128xf32>
    %swap3A_711 = vector.shape_cast %add3A_705 : vector<256x128xf32> to vector<1x256x128xf32>
    tpu.vector_store %arg8[%swap3A_706, %swap3A_707, %swap3A_708], %swap3A_711 {strides = array<i32>} : memref<4x256x2560xf32, #tpu.memory_space<vmem>>, vector<1x256x128xf32>,
    %slice3A_712 = vector.extract_strided_slice %get3A_4 {offsets = [0, 19], sizes = [256, 1], strides = [1, 1]} : vector<256x20xi32> to vector<256x1xi32>
    %eq3A_713 = vector.broadcast %slice3A_712 : vector<256x1xi32> to vector<256x128xi32>
    %eq3A_714 = arith.cmpi eq, %eq3A_713, %iota3A : vector<256x128xi32>
    %convert_element_type3A_715 = arith.extui %eq3A_714 : vector<256x128xi1> to vector<256x128xi32>
    %convert_element_type3A_716 = arith.sitofp %convert_element_type3A_715 : vector<256x128xi32> to vector<256x128xf32>
    %convert_element_type3A_717 = arith.truncf %convert_element_type3A_716 : vector<256x128xf32> to vector<256x128xbf16>
    %slice3A_718 = vector.extract_strided_slice %get3A_7 {offsets = [0, 19], sizes = [256, 1], strides = [1, 1]} : vector<256x20xf32> to vector<256x1xf32>
    %get3A_719 = arith.constant 0 : index
    %get3A_720 = arith.constant 0 : index
    %get3A_721 = vector.load %arg4[%get3A_719, %get3A_720] : memref<1x64xf32, #tpu.memory_space<vmem>>, vector<1x64xf32>
    %mul3A_722 = vector.broadcast %slice3A_718 : vector<256x1xf32> to vector<256x64xf32>
    %mul3A_723 = vector.broadcast %get3A_721 : vector<1x64xf32> to vector<256x64xf32>
    %mul3A_724 = arith.mulf %mul3A_722, %mul3A_723 : vector<256x64xf32>
    %get3A_725 = arith.constant 0 : index
    %get3A_726 = arith.constant 0 : index
    %get3A_727 = vector.load %arg5[%get3A_725, %get3A_726] : memref<1x64xf32, #tpu.memory_space<vmem>>, vector<1x64xf32>
    %add3A_728 = vector.broadcast %get3A_727 : vector<1x64xf32> to vector<256x64xf32>
    %add3A_729 = arith.addf %mul3A_724, %add3A_728 : vector<256x64xf32>
    %logistic3A_730 = arith.negf %add3A_729 : vector<256x64xf32>
    %logistic3A_731 = math.exp %logistic3A_730 : vector<256x64xf32>
    %logistic3A_732 = arith.constant 1.000000e+00 : f32
    %logistic3A_733 = vector.broadcast %logistic3A_732 : f32 to vector<256x64xf32>
    %logistic3A_734 = arith.addf %logistic3A_733, %logistic3A_731 : vector<256x64xf32>
    %logistic3A_735 = arith.divf %logistic3A_733, %logistic3A_734 : vector<256x64xf32>
    %mul3A_736 = arith.mulf %add3A_729, %logistic3A_735 : vector<256x64xf32>
    %convert_element_type3A_737 = arith.truncf %mul3A_736 : vector<256x64xf32> to vector<256x64xbf16>
    %dot_general3A_738 = arith.constant dense<0.000000e+00> : vector<256x128xf32>
    %dot_general3A_739 = tpu.matmul %convert_element_type3A_717, %convert_element_type3A_11, %dot_general3A_738 {dimension_numbers = #tpu.dot_dimension_numbers<[1], [0], [0], [1], [0, 0, 1, 1], [], []>, transpose_lhs_hint = false} : vector<256x128xbf16>, vector<128x128xbf16>, vector<256x128xf32> -> vector<256x128xf32>
    %dot_general3A_740 = arith.constant dense<0.000000e+00> : vector<256x128xf32>
    %dot_general3A_741 = tpu.matmul %convert_element_type3A_737, %convert_element_type3A_15, %dot_general3A_740 {dimension_numbers = #tpu.dot_dimension_numbers<[1], [0], [0], [1], [0, 0, 1, 1], [], []>, transpose_lhs_hint = false} : vector<256x64xbf16>, vector<64x128xbf16>, vector<256x128xf32> -> vector<256x128xf32>
    %add3A_742 = arith.addf %dot_general3A_739, %dot_general3A_741 : vector<256x128xf32>
    %swap3A_743 = arith.index_cast %rem3A_0 : i32 to index
    %swap3A_744 = arith.constant 0 : index
    %swap3A_745 = arith.constant 2432 : index
    %swap3A_746 = vector.load %arg8[%swap3A_743, %swap3A_744, %swap3A_745] : memref<4x256x2560xf32, #tpu.memory_space<vmem>>, vector<1x256x128xf32>
    %swap3A_747 = vector.shape_cast %swap3A_746 : vector<1x256x128xf32> to vector<256x128xf32>
    %swap3A_748 = vector.shape_cast %add3A_742 : vector<256x128xf32> to vector<1x256x128xf32>
    tpu.vector_store %arg8[%swap3A_743, %swap3A_744, %swap3A_745], %swap3A_748 {strides = array<i32>} : memref<4x256x2560xf32, #tpu.memory_space<vmem>>, vector<1x256x128xf32>,
    %mul3A_749 = arith.constant 256 : i32
    %mul3A_750 = arith.muli %arg0, %mul3A_749 : i32
    %dma_start3A = tpu.memref_slice %arg9[%rem3A_0] : memref<4x!tpu.dma_semaphore, #tpu.memory_space<semaphore_mem>> -> memref<1x!tpu.dma_semaphore, #tpu.memory_space<semaphore_mem>>
    %dma_start3A_751 = tpu.memref_squeeze %dma_start3A : memref<1x!tpu.dma_semaphore, #tpu.memory_space<semaphore_mem>> -> memref<!tpu.dma_semaphore, #tpu.memory_space<semaphore_mem>>
    %dma_start3A_752 = arith.constant 0 : i32
    %dma_start3A_753 = tpu.memref_slice %arg7[%mul3A_750, %dma_start3A_752] : memref<4096x2560xf32, #tpu.memory_space<any>> -> memref<256x2560xf32, #tpu.memory_space<any>>
    %dma_start3A_754 = arith.constant 0 : i32
    %dma_start3A_755 = arith.constant 0 : i32
    %dma_start3A_756 = tpu.memref_slice %arg8[%rem3A_0, %dma_start3A_754, %dma_start3A_755] : memref<4x256x2560xf32, #tpu.memory_space<vmem>> -> memref<1x256x2560xf32, #tpu.memory_space<vmem>>
    %dma_start3A_757 = tpu.memref_squeeze %dma_start3A_756 : memref<1x256x2560xf32, #tpu.memory_space<vmem>> -> memref<256x2560xf32, #tpu.memory_space<vmem>>
    tpu.enqueue_dma source(%dma_start3A_757 : memref<256x2560xf32, #tpu.memory_space<vmem>>) target(%dma_start3A_753 : memref<256x2560xf32, #tpu.memory_space<any>>) target_semaphore(%dma_start3A_751 : memref<!tpu.dma_semaphore, #tpu.memory_space<semaphore_mem>>)
    %eq3A_758 = arith.constant 15 : i32
    %eq3A_759 = arith.cmpi eq, %arg0, %eq3A_758 : i32
    %convert_element_type3A_760 = arith.extui %eq3A_759 : i1 to i32
    %cond3A_761 = arith.constant 0 : i32
    %cond3A_762 = arith.cmpi ne, %convert_element_type3A_760, %cond3A_761 : i32
    scf.if %cond3A_762 {
      %dma_wait3A = arith.constant 0 : i32
      %dma_wait3A_763 = arith.constant 0 : i32
      %dma_wait3A_764 = tpu.memref_slice %arg9[%dma_wait3A_763] : memref<4x!tpu.dma_semaphore, #tpu.memory_space<semaphore_mem>> -> memref<1x!tpu.dma_semaphore, #tpu.memory_space<semaphore_mem>>
      %dma_wait3A_765 = tpu.memref_squeeze %dma_wait3A_764 : memref<1x!tpu.dma_semaphore, #tpu.memory_space<semaphore_mem>> -> memref<!tpu.dma_semaphore, #tpu.memory_space<semaphore_mem>>
      %dma_wait3A_766 = arith.constant 3072 : i32
      %dma_wait3A_767 = arith.constant 0 : i32
      %dma_wait3A_768 = tpu.memref_slice %arg7[%dma_wait3A_766, %dma_wait3A_767] : memref<4096x2560xf32, #tpu.memory_space<any>> -> memref<256x2560xf32, #tpu.memory_space<any>>
      %dma_wait3A_769 = arith.constant 0 : i32
      %dma_wait3A_770 = arith.constant 0 : i32
      %dma_wait3A_771 = tpu.memref_slice %arg8[%dma_wait3A, %dma_wait3A_769, %dma_wait3A_770] : memref<4x256x2560xf32, #tpu.memory_space<vmem>> -> memref<1x256x2560xf32, #tpu.memory_space<vmem>>
      %dma_wait3A_772 = tpu.memref_squeeze %dma_wait3A_771 : memref<1x256x2560xf32, #tpu.memory_space<vmem>> -> memref<256x2560xf32, #tpu.memory_space<vmem>>
      tpu.wait_dma2 semaphore(%dma_wait3A_765 : memref<!tpu.dma_semaphore, #tpu.memory_space<semaphore_mem>>) src(%dma_wait3A_772 : memref<256x2560xf32, #tpu.memory_space<vmem>>) dst(%dma_wait3A_768 : memref<256x2560xf32, #tpu.memory_space<any>>)
      %dma_wait3A_773 = arith.constant 1 : i32
      %dma_wait3A_774 = arith.constant 1 : i32
      %dma_wait3A_775 = tpu.memref_slice %arg9[%dma_wait3A_774] : memref<4x!tpu.dma_semaphore, #tpu.memory_space<semaphore_mem>> -> memref<1x!tpu.dma_semaphore, #tpu.memory_space<semaphore_mem>>
      %dma_wait3A_776 = tpu.memref_squeeze %dma_wait3A_775 : memref<1x!tpu.dma_semaphore, #tpu.memory_space<semaphore_mem>> -> memref<!tpu.dma_semaphore, #tpu.memory_space<semaphore_mem>>
      %dma_wait3A_777 = arith.constant 3328 : i32
      %dma_wait3A_778 = arith.constant 0 : i32
      %dma_wait3A_779 = tpu.memref_slice %arg7[%dma_wait3A_777, %dma_wait3A_778] : memref<4096x2560xf32, #tpu.memory_space<any>> -> memref<256x2560xf32, #tpu.memory_space<any>>
      %dma_wait3A_780 = arith.constant 0 : i32
      %dma_wait3A_781 = arith.constant 0 : i32
      %dma_wait3A_782 = tpu.memref_slice %arg8[%dma_wait3A_773, %dma_wait3A_780, %dma_wait3A_781] : memref<4x256x2560xf32, #tpu.memory_space<vmem>> -> memref<1x256x2560xf32, #tpu.memory_space<vmem>>
      %dma_wait3A_783 = tpu.memref_squeeze %dma_wait3A_782 : memref<1x256x2560xf32, #tpu.memory_space<vmem>> -> memref<256x2560xf32, #tpu.memory_space<vmem>>
      tpu.wait_dma2 semaphore(%dma_wait3A_776 : memref<!tpu.dma_semaphore, #tpu.memory_space<semaphore_mem>>) src(%dma_wait3A_783 : memref<256x2560xf32, #tpu.memory_space<vmem>>) dst(%dma_wait3A_779 : memref<256x2560xf32, #tpu.memory_space<any>>)
      %dma_wait3A_784 = arith.constant 2 : i32
      %dma_wait3A_785 = arith.constant 2 : i32
      %dma_wait3A_786 = tpu.memref_slice %arg9[%dma_wait3A_785] : memref<4x!tpu.dma_semaphore, #tpu.memory_space<semaphore_mem>> -> memref<1x!tpu.dma_semaphore, #tpu.memory_space<semaphore_mem>>
      %dma_wait3A_787 = tpu.memref_squeeze %dma_wait3A_786 : memref<1x!tpu.dma_semaphore, #tpu.memory_space<semaphore_mem>> -> memref<!tpu.dma_semaphore, #tpu.memory_space<semaphore_mem>>
      %dma_wait3A_788 = arith.constant 3584 : i32
      %dma_wait3A_789 = arith.constant 0 : i32
      %dma_wait3A_790 = tpu.memref_slice %arg7[%dma_wait3A_788, %dma_wait3A_789] : memref<4096x2560xf32, #tpu.memory_space<any>> -> memref<256x2560xf32, #tpu.memory_space<any>>
      %dma_wait3A_791 = arith.constant 0 : i32
      %dma_wait3A_792 = arith.constant 0 : i32
      %dma_wait3A_793 = tpu.memref_slice %arg8[%dma_wait3A_784, %dma_wait3A_791, %dma_wait3A_792] : memref<4x256x2560xf32, #tpu.memory_space<vmem>> -> memref<1x256x2560xf32, #tpu.memory_space<vmem>>
      %dma_wait3A_794 = tpu.memref_squeeze %dma_wait3A_793 : memref<1x256x2560xf32, #tpu.memory_space<vmem>> -> memref<256x2560xf32, #tpu.memory_space<vmem>>
      tpu.wait_dma2 semaphore(%dma_wait3A_787 : memref<!tpu.dma_semaphore, #tpu.memory_space<semaphore_mem>>) src(%dma_wait3A_794 : memref<256x2560xf32, #tpu.memory_space<vmem>>) dst(%dma_wait3A_790 : memref<256x2560xf32, #tpu.memory_space<any>>)
      %dma_wait3A_795 = arith.constant 3 : i32
      %dma_wait3A_796 = arith.constant 3 : i32
      %dma_wait3A_797 = tpu.memref_slice %arg9[%dma_wait3A_796] : memref<4x!tpu.dma_semaphore, #tpu.memory_space<semaphore_mem>> -> memref<1x!tpu.dma_semaphore, #tpu.memory_space<semaphore_mem>>
      %dma_wait3A_798 = tpu.memref_squeeze %dma_wait3A_797 : memref<1x!tpu.dma_semaphore, #tpu.memory_space<semaphore_mem>> -> memref<!tpu.dma_semaphore, #tpu.memory_space<semaphore_mem>>
      %dma_wait3A_799 = arith.constant 3840 : i32
      %dma_wait3A_800 = arith.constant 0 : i32
      %dma_wait3A_801 = tpu.memref_slice %arg7[%dma_wait3A_799, %dma_wait3A_800] : memref<4096x2560xf32, #tpu.memory_space<any>> -> memref<256x2560xf32, #tpu.memory_space<any>>
      %dma_wait3A_802 = arith.constant 0 : i32
      %dma_wait3A_803 = arith.constant 0 : i32
      %dma_wait3A_804 = tpu.memref_slice %arg8[%dma_wait3A_795, %dma_wait3A_802, %dma_wait3A_803] : memref<4x256x2560xf32, #tpu.memory_space<vmem>> -> memref<1x256x2560xf32, #tpu.memory_space<vmem>>
      %dma_wait3A_805 = tpu.memref_squeeze %dma_wait3A_804 : memref<1x256x2560xf32, #tpu.memory_space<vmem>> -> memref<256x2560xf32, #tpu.memory_space<vmem>>
      tpu.wait_dma2 semaphore(%dma_wait3A_798 : memref<!tpu.dma_semaphore, #tpu.memory_space<semaphore_mem>>) src(%dma_wait3A_805 : memref<256x2560xf32, #tpu.memory_space<vmem>>) dst(%dma_wait3A_801 : memref<256x2560xf32, #tpu.memory_space<any>>)
    } else {
    }
    return
  }
  func.func @transform_0(%arg0: i32) -> (i32, i32) {
    %c0_i32 = arith.constant 0 : i32
    %c0_i32_0 = arith.constant 0 : i32
    return %arg0, %c0_i32 : i32, i32
  }
  func.func @transform_1(%arg0: i32) -> (i32, i32) {
    %c0_i32 = arith.constant 0 : i32
    %c0_i32_0 = arith.constant 0 : i32
    return %arg0, %c0_i32 : i32, i32
  }
  func.func @transform_2(%arg0: i32) -> (i32, i32) {
    %c0_i32 = arith.constant 0 : i32
    %c0_i32_0 = arith.constant 0 : i32
    %c0_i32_1 = arith.constant 0 : i32
    return %c0_i32, %c0_i32_0 : i32, i32
  }
  func.func @transform_3(%arg0: i32) -> (i32, i32) {
    %c0_i32 = arith.constant 0 : i32
    %c0_i32_0 = arith.constant 0 : i32
    %c0_i32_1 = arith.constant 0 : i32
    return %c0_i32, %c0_i32_0 : i32, i32
  }
  func.func @transform_4(%arg0: i32) -> (i32, i32) {
    %c0_i32 = arith.constant 0 : i32
    %c0_i32_0 = arith.constant 0 : i32
    %c0_i32_1 = arith.constant 0 : i32
    return %c0_i32, %c0_i32_0 : i32, i32
  }
  func.func @transform_5(%arg0: i32) -> (i32, i32) {
    %c0_i32 = arith.constant 0 : i32
    %c0_i32_0 = arith.constant 0 : i32
    %c0_i32_1 = arith.constant 0 : i32
    return %c0_i32, %c0_i32_0 : i32, i32
  }
}

</mosaic_0001>

<sc_bundles>
// kernel: sparse-core-data-format-call.cloned.1.call-start
scs
called_computation_lowered:
.L_overlay_start_0:
0x0: {  	s2 =	sld [smem:$0x3FD9]  }
0x1: {  	s3 =	sld [smem:$0x3FFE];
	_ =	sdelay $0x1  }
0x2: {  	s1 =	srdreg.scid  }
0x3: {  	s0 =	sand.u32 $0x1, s1  }
0x4: {  	s18 =	sshll.u32 s0, $0xA;
	s2 =	sadd.s32 s3, s2  }
0x5: {  	s2 =	sadd.s32 s2, s18  }
0x6: {  	[smem:$0x3FBF] =	sst s2  }
0x7: {  	_ = 	snop  }
0x8: {  	s2 =	sld [smem:$0x3FD0];
	(tm) =	ssettm $0x1  }
0x9: {  	s19 =	sld [smem:$0x3FFB];
	_ =	sdelay $0x3  }
0xa: {  	_ =	strace s19  }
0xb: {  	s3 =	sld [smem:$0x3FFC];
	_ =	sdelay $0x3  }
0xc: {  	_ =	strace s3  }
0xd: {  	s3 =	sld [smem:$0x3FFD];
	_ =	sdelay $0x3  }
0xe: {  	_ =	strace s3  }
0xf: {  	_ =	strace $0x8FFFFFFF  }
0x10: {  	s20 =	sld [smem:$0x3FDB];
	_ =	sdelay $0x1  }
0x11: {  	s4 =	simm.s32 $_scs_section_size  }
0x12: {  	s5 =	simm.s32 $_size__tile_overlayer_lowered;
	s6 =	simm.s32 $_tile_overlayer_lowered  }
0x13: {  	s23 =	simm.s32 $0x1BFF;
	s22 =	sshll.u32 s6, $0x1;
	s3 =	sadd.s32 s4, s20  }
0x14: {  	s7 =	simm.s32 $0x0;
	s21 =	sshll.u32 s5, $0x1;
	s5 =	sadd.s32 s22, s3  }
0x15: {  	[timem:s7], [sflag:s23] =	dma.local [hbm:s5], s21  }
0x16: {  	_ =	swait.ge [sflag:s23], s21  }
0x17: {  	s4 =	ssub.s32 $0x0, s21;
	[sflag:s23] =	ssyncset.done $0x0  }
0x18: {  	[sflag:s23] =	ssyncadd.s32 s4;
	_ =	sdelay $0x1  }
0x19: {  	s24 =	simm.s32 $0x1B8B  }
0x1a: {  	_ =	swait.ge [sflag:s24], $0x1  }
0x1b: {  	[sflag:s24] =	ssyncset.done $0x0  }
0x1c: {  	s26 =	simm.s32 $0x1B8E;
	s25 =	sld [smem:$0x3FFE];
	[sflag:s24] =	ssyncadd.s32 $0xFFFFFFFF  }
0x1d: {  	s27 =	simm.s32 $execute0_lowered;
	[smem:$0x3FD2] =	sst s26  }
0x1e: {  	s5 =	sshll.u32 s27, $0x1;
	_ =	strace $0x80000046;
	[dreg:$0x1] =	wrdreg $0xFFFFFFFF  }
0x1f: {  	s28 =	simm.s32 $_size_execute0_lowered;
	s3 =	sadd.s32 s3, s5;
	[dreg:$0x0] =	wrdreg $0x0  }
0x20: {  	s5 =	sshll.u32 s28, $0x1;
	[dreg:$0x2] =	wrdreg s3  }
0x21: {  	[dreg:$0x3] =	wrdreg s5  }
0x22: {  	[dreg:$0x4] =	wrdreg $0xC0  }
0x23: {  	_ =	task [dreg:s7], $0x5FFFF  }
0x24: {  	[dreg:$0x1] =	wrdreg $0xFFFFFFFF  }
0x25: {  	[dreg:$0x0] =	wrdreg $0x60  }
0x26: {  	[dreg:$0x2] =	wrdreg s25  }
0x27: {  	[dreg:$0x3] =	wrdreg s2  }
0x28: {  	[dreg:$0x4] =	wrdreg $0x9  }
0x29: {  	_ =	task.clear_ibuf [dreg:s7], $0x5FFFF;
	_ =	strace $0x90000046  }
0x2a: {  	s29 =	simm.s32 $0x9;
	_ =	strace $0x80000048  }
0x2b: {  	_ =	swait.ge [sflag:s29], $0x1  }
0x2c: {  	[sflag:s29] =	ssyncadd.s32 $0xFFFFFFFF  }
0x2d: {  	_ =	strace $0x90000048  }
0x2e: {  	_ =	sfence  }
0x2f: {  	s30 =	sld [smem:$0x0];
	_ =	sdelay $0x2  }
0x30: {  	s31 =	sshll.u32 s1, $0xD;
	s1 =	sshrl.u32 s1, $0x2  }
0x31: {  	s3 =	sand.u32 $0x4000, s31;
	s1 =	sadd.s32 s1, s30  }
0x32: {  	s0 =	sor.u32 s3, s0;
	s1 =	sshll.u32 s1, $0x11  }
0x33: {  	s0 =	sor.u32 s1, s0  }
0x34: {  	s0 =	sadd.s32 $0x8F2B, s0  }
0x35: {  	[sflag:s0] =	ssyncadd.remote.s32 $0x1  }
0x36: {  	_ =	sfence.sel $0xFFFF  }
0x37: {  	[dreg:$0x0] =	wrdreg $0xFFFFFFFF;
	(pc) =	sbr.abs _section_cstart, $3  }
0x38: {  	[dreg:$0x1] =	wrdreg $0xFFFFFFFF  }
0x39: {  	_ =	task.clear_ibuf [dreg:s7], $0x2FFFF;
	_ =	strace $0x9FFFFFFF  }
0x3a: {  	(tm) =	ssettm $0x7FFFFFFF  }
0x3b: {  	_ =	shalt  }
tec
execute0_lowered:
.L_overlay_start_1:
0x0: {  	(tag) =	ssettag $0x1  }
0x1: {  	s0 =	srdreg.scid  }
0x2: {  	s1 =	sshll.u32 s0, $0x4  }
0x3: {  	s0 =	stileid.u32;
	s1 =	sand.u32 $0x10, s1  }
0x4: {  	s6 =	rddreg [dreg:$0x0];
	s1 =	sor.u32 s0, s1  }
0x5: {  	s4 =	simm.s32 $0x1;
	s7 =	simm.s32 $0x2;
	s2 =	sshll.u32 s1, $0x7  }
0x6: {  	s14 =	simm.s32 $0x0;
	s12 =	simm.s32 $0x0;
	s1 =	ssub.s32 $0x4000, s2  }
0x7: {  	s13 =	simm.s32 $0x0;
	s9 =	simm.s32 $0x0;
	s3 =	sand.u32 $0xF80, s1  }
0x8: {  	s10 =	simm.s32 $0x0;
	s5 =	sshrl.u32 s1, $0xC;
	p0 =	sne.s32 s3, $0x0  }
.Ltmp0:
0x9: {  	s1 =	rddreg [dreg:$0x2];
	s4 =	simm.s32 @!p0 $0x0;
	(pc) =	sbr.rel .LBB1_1-.Ltmp0, $4  }
0xa: {  	s11 =	simm.s32 $0x0;
	s3 =	rddreg [dreg:$0x1];
	s5 =	sadd.s32 s4, s5  }
0xb: {  	_ =	strace $0x80000047;
	s4 =	simm.s32 $0x1;
	s5 =	smul.u32 $0x14, s5  }
0xc: {  	s6 =	sadd.s32 $0x500E00, s6;
	s8 =	smov.u32 s2;
	[sflag:s4] =	ssyncpa.u1 $0x0  }
0xd: {  	p0 =	por $0x0, $0x0;
	[sflag:s7] =	ssyncpa.u1 $0x0;
	s7 =	sor.u32 $0x1, s5  }
.LBB1_4:
0xe: {  	v5 =	vld [tilespmem:s18+$0xFFFFFFD0];
	[tilespmem:s17+$0x2040 ss:$0x81] =	vst.msk $0xffff, v1  }
0xf: {  	v58 =	vld [tilespmem:s18+$0xFFFFFFE0];
	[tilespmem:s17+$0x2850 ss:$0x81] =	vst.msk $0xffff, v2  }
0x10: {  	s19 =	sshra.s32 s19, $0x2;
	v59 =	vld [tilespmem:s18+$0xFFFFFFF0];
	[tilespmem:s17+$0x3060 ss:$0x81] =	vst.msk $0xffff, v3  }
0x11: {  	v60 =	vld [tilespmem:s18+$0x0];
	[tilespmem:s17+$0x0 ss:$0x81] =	vst.msk $0xffff, v0;
	s16 =	sadd.s32 s19, s16  }
0x12: {  	v61 =	vld [tilespmem:s18+$0x10];
	[tilespmem:s16+$0x3870 ss:$0x81] =	vst.msk $0xffff, v4  }
0x13: {  	v62 =	vld [tilespmem:s18+$0x20];
	s14 =	sshll.u32 s14, $0x7;
	s28 =	sshll.u32 s12, $0x3;
	[tilespmem:s16+$0x810 ss:$0x81] =	vst.msk $0xffff, v5  }
0x14: {  	v63 =	vld [tilespmem:s18+$0xFFFFFFC0];
	s29 =	sand.u32 $0x1FFC00, s14;
	s17 =	sand.u32 $0x1FFC00, s28;
	[tilespmem:s16+$0x1020 ss:$0x81] =	vst.msk $0xffff, v58  }
0x15: {  	s14 =	sand.u32 $0x380, s14;
	s17 =	sadd.s32 s17, s29;
	[tilespmem:s16+$0x1830 ss:$0x81] =	vst.msk $0xffff, v59  }
0x16: {  	s13 =	sshll.u32 s13, $0x12;
	s30 =	sshrl.u32 s12, $0x3;
	s14 =	sor.u32 s14, s17;
	[tilespmem:s16+$0x2040 ss:$0x81] =	vst.msk $0xffff, v60  }
0x17: {  	s13 =	sadd.s32 s3, s13;
	s17 =	sand.u32 $0xF, s30;
	s14 =	sshrl.u32 s14, $0x3;
	[tilespmem:s16+$0x2850 ss:$0x81] =	vst.msk $0xffff, v61  }
0x18: {  	s13 =	sadd.s32 s17, s13;
	[tilespmem:s16+$0x3060 ss:$0x81] =	vst.msk $0xffff, v62;
	s14 =	sand.u32 $0x3FFF0, s14  }
0x19: {  	s31 =	sand.u32 $0x7, s12;
	[tilespmem:s16+$0x0 ss:$0x81] =	vst.msk $0xffff, v63;
	s13 =	sadd.s32 s14, s13  }
0x1a: {  	[hbm4b:s13+s31] =	stream.linear.scatter [tilespmem:s15], [sflag:$0x2], $0x4000, $0x20;
	[tilespmem:$0x10100] =	vst v63  }
.LBB1_5:
0x1b: {  	s15 =	sadd.s32 $0x1000, s8  }
0x1c: {  	s12 =	sadd.s32 $0x80, s9;
	s16 =	smov.u32 s9;
	p2 =	sgt.s32 s15, $0x3FFF  }
0x1d: {  	s16 =	smov.u32 @p2 s12  }
0x1e: {  	s12 =	simm.s32 $0x1;
	p3 =	sgt.s32 s16, $0x7F  }
0x1f: {  	s12 =	simm.s32 @!p3 $0x0  }
0x20: {  	s18 =	sadd.s32 s12, s10  }
0x21: {  	s15 =	smov.u32 @p2 s2;
	p2 =	sgt.s32 s18, $0x13  }
0x22: {  	p1 =	slt.u32 s11, $0x2;
	s18 =	simm.s32 @p2 $0x0;
	p2 =	sne.s32 s11, s7  }
.Ltmp1:
0x23: {  	s17 =	simm.s32 @!p1 $0x2;
	(pc) =	sbr.rel @!p2 .LBB1_6-.Ltmp1, $4  }
0x24: {  	s14 =	smov.u32 s8;
	s13 =	smov.u32 s10;
	_ =	swait.ge @!p1 [sflag:s17], $0x4000  }
0x25: {  	p0 =	por !p0, !p0;
	[sflag:s17] =	ssyncset.done @!p1 $0x0;
	s8 =	smov.u32 s15  }
0x26: {  	s16 =	simm.s32 @p3 $0x0;
	[sflag:s17] =	ssyncadd.s32 @!p1 $0xFFFFC000;
	s12 =	smov.u32 s9  }
0x27: {  	s9 =	smov.u32 s16;
	s11 =	sadd.s32 $0x1, s11;
	s10 =	smov.u32 s18  }
.LBB1_1:
0x28: {  	p1 =	sge.u32 s11, s5;
	s31 =	sadd.s32 $0xFFFFFFFF, s11  }
0x29: {  	s15 =	sxor.u32 @!p1 $0xFFFFFFFF, s11;
	s16 =	sand.u32 @!p1 $0x78, s8;
	s17 =	sshll.u32 @!p1 s9, $0xE  }
0x2a: {  	s18 =	sshll.u32 @!p1 s9, $0x7;
	s19 =	sshll.u32 @!p1 s8, $0x3;
	s15 =	sshll.u32 @!p1 s15, $0xE  }
0x2b: {  	s17 =	sand.u32 @!p1 $0x1E0000, s17;
	s18 =	sand.u32 @!p1 $0x380, s18;
	s15 =	sand.u32 @!p1 $0x4000, s15  }
0x2c: {  	s17 =	sadd.s32 @!p1 s17, s19;
	s19 =	sand.u32 @!p1 $0x3C00, s19;
	s16 =	sor.u32 @!p1 s18, s16  }
0x2d: {  	s18 =	sshll.u32 @!p1 s10, $0x12;
	s16 =	sor.u32 @!p1 s19, s16;
	s17 =	sshrl.u32 @!p1 s17, $0x3  }
0x2e: {  	s18 =	sadd.s32 @!p1 s6, s18;
	s19 =	sand.u32 @!p1 $0x7, s8;
	s17 =	sand.u32 @!p1 $0x3F800, s17  }
0x2f: {  	s16 =	sshrl.u32 @!p1 s16, $0x3;
	s17 =	sadd.s32 @!p1 s17, s18;
	s18 =	sshll.u32 @!p1 s19, $0x12  }
0x30: {  	s16 =	sadd.s32 @!p1 s16, s17;
	s17 =	sor.u32 @!p1 $0x400, s18;
	s18 =	simm.s32 @!p1 $0x20000  }
0x31: {  	[tilespmem:s15], [sflag:$0x1] =	stream.strided.gather @!p1 [hbm4b:s16+s17], $0x4000, s18, s17, $0x38;
	[tilespmem:$0x10100] =	vst v63  }
0x32: {  	p1 =	sge.u32 s31, s5  }
.Ltmp2:
0x33: {  	_ = 	snop;
	(pc) =	sbr.rel @p1 .LBB1_5-.Ltmp2, $1  }
0x34: {  	_ =	sdelay $0x3  }
0x35: {  	s15 =	simm.s32 $0x1  }
0x36: {  	_ =	swait.ge [sflag:s4], $0x4000;
	s15 =	simm.s32 @!p0 $0x0  }
0x37: {  	[sflag:s4] =	ssyncset.done $0x0;
	s16 =	sshll.u32 s15, $0xE  }
0x38: {  	[sflag:s4] =	ssyncadd.s32 $0xFFFFC000;
	s18 =	sor.u32 $0x40, s16  }
0x39: {  	s15 =	smul.u32 $0x10200, s15;
	v0 =	vld [tilespmem:s18+$0x30]  }
0x3a: {  	v3 =	vld [tilespmem:s18+$0xFFFFFFD0]  }
0x3b: {  	s15 =	sshrl.u32 s15, $0x2;
	v4 =	vld [tilespmem:s18+$0xFFFFFFE0]  }
0x3c: {  	v5 =	vld [tilespmem:s18+$0xFFFFFFF0];
	s16 =	sor.u32 $0x8000, s15  }
0x3d: {  	s31 =	sand.u32 $0x1, s11;
	v1 =	vld [tilespmem:s18+$0x0];
	s17 =	sadd.s32 $0x0, s16  }
0x3e: {  	v2 =	vld [tilespmem:s18+$0x10];
	s15 =	smul.u32 $0x10200, s31;
	[tilespmem:s17+$0x3870 ss:$0x81] =	vst.msk $0xffff, v0  }
0x3f: {  	[tilespmem:s17+$0x810 ss:$0x81] =	vst.msk $0xffff, v3;
	v3 =	vld [tilespmem:s18+$0x20]  }
0x40: {  	s15 =	sshrl.u32 s15, $0x2;
	v0 =	vld [tilespmem:s18+$0xFFFFFFC0];
	[tilespmem:s17+$0x1020 ss:$0x81] =	vst.msk $0xffff, v4;
	s18 =	sadd.s32 $0x80, s18  }
0x41: {  	s19 =	simm.s32 $0x4;
	s20 =	simm.s32 $0x8;
	s15 =	sor.u32 $0x8000, s15;
	[tilespmem:s17+$0x1830 ss:$0x81] =	vst.msk $0xffff, v5;
	v4 =	vld [tilespmem:s18+$0x30]  }
.LBB1_3:
0x42: {  	p1 =	sne.s32 s20, $0x1FC;
	v5 =	vld [tilespmem:s18+$0xFFFFFFD0];
	[tilespmem:s17+$0x2040 ss:$0x81] =	vst.msk $0xffff, v1  }
0x43: {  	v6 =	vld [tilespmem:s18+$0xFFFFFFE0];
	[tilespmem:s17+$0x2850 ss:$0x81] =	vst.msk $0xffff, v2  }
0x44: {  	s21 =	sshra.s32 s19, $0x2;
	s19 =	smov.u32 s20;
	v7 =	vld [tilespmem:s18+$0xFFFFFFF0];
	[tilespmem:s17+$0x3060 ss:$0x81] =	vst.msk $0xffff, v3  }
.Ltmp3:
0x45: {  	v1 =	vld [tilespmem:s18+$0x0];
	[tilespmem:s17+$0x0 ss:$0x81] =	vst.msk $0xffff, v0;
	s17 =	sadd.s32 s21, s16;
	(pc) =	sbr.rel @p1 .LBB1_3-.Ltmp3, $4  }
0x46: {  	v2 =	vld [tilespmem:s18+$0x10];
	[tilespmem:s17+$0x3870 ss:$0x81] =	vst.msk $0xffff, v4  }
0x47: {  	[tilespmem:s17+$0x810 ss:$0x81] =	vst.msk $0xffff, v5;
	v3 =	vld [tilespmem:s18+$0x20]  }
0x48: {  	v0 =	vld [tilespmem:s18+$0xFFFFFFC0];
	[tilespmem:s17+$0x1020 ss:$0x81] =	vst.msk $0xffff, v6;
	s18 =	sadd.s32 $0x80, s18  }
0x49: {  	s20 =	sadd.s32 $0x4, s20;
	v4 =	vld [tilespmem:s18+$0x30];
	[tilespmem:s17+$0x1830 ss:$0x81] =	vst.msk $0xffff, v7  }
.Ltmp4:
0x4a: {  	_ = 	snop;
	(pc) =	sbr.rel .LBB1_4-.Ltmp4, $1  }
0x4b: {  	_ =	sdelay $0x3  }
.LBB1_6:
0x4c: {  	_ =	sfence.sel $0x180000  }
0x4d: {  	s2 =	simm.s32 $0x1;
	[bflag:$0x0] =	sbarrier.arrive $0xFFFF  }
0x4e: {  	s31 =	simm.s32 $0x2;
	[sflag:s2] =	ssyncpa.u1 $0x1  }
0x4f: {  	[sflag:s31] =	ssyncpa.u1 $0x1  }
0x50: {  	p0 =	sne.s32 s0, $0x0;
	_ =	strace $0x90000047  }
0x51: {  	s0 =	sadd.s32 @!p0 $0x100000, s1;
	[bflag:$0x2] =	sbarrier.arrive $0xFFFF  }
0x52: {  	[sflag:s0] =	ssyncadd.tile.s32 @!p0 $0x1;
	_ =	shalt  }
.Lfunc_end1:
_tile_overlayer_lowered:
.L_overlay_start_2:
0x53: {  	(tag) =	ssettag $0x2  }
0x54: {  	s0 =	rddreg [dreg:$0x0];
	s2 =	stileid.u32  }
0x55: {  	s1 =	rddreg [dreg:$0x1];
	p0 =	sne.s32 s2, $0x0  }
0x56: {  	s3 =	rddreg [dreg:$0x2];
	[bflag:$0x3] =	sbarrier.arrive $0xFFFF;
	s2 =	simm.s32 @!p0 $0x1C01  }
0x57: {  	[timem:s3], [sflag:s2] =	dma.local @!p0 [hbm:s0], s1  }
0x58: {  	s0 =	simm.s32 @!p0 $0x1  }
0x59: {  	_ =	swait.ge @!p0 [sflag:s0], s1  }
0x5a: {  	s1 =	ssub.s32 @!p0 $0x0, s1;
	[sflag:s0] =	ssyncset.done @!p0 $0x0  }
0x5b: {  	[sflag:s0] =	ssyncadd.s32 @!p0 s1  }
0x5c: {  	[bflag:$0x3] =	sbarrier.arrive $0xFFFF  }
0x5d: {  	_ =	shalt  }

</sc_bundles>
